<compile_context>
chip_gen: v7x
topology: tpu7x:2x2x1
jax: 0.10.2.dev20260603
libtpu: 0.0.44.dev20260713+nightly
codegen_flags: <defaults>
</compile_context>

<pallas_src>
import functools

import jax
import jax.numpy as jnp
from jax import lax
from jax.experimental import pallas as pl
from jax.experimental.pallas import tpu as pltpu
from jax.experimental.pallas import tpu_sc as plsc

N = 10000
E = 320000
IN_DIM = 128
HID = 64
OUT3 = 32

NC = 2
NS = 16
NW = NC * NS

CH = 128
EPW = -(-E // NW)
KCH = 2 * (-(-EPW // (2 * CH)))
KTOT = KCH + 1
EP = NW * KCH * CH

NPAD = 10240
ROWS = NPAD // NS
BR = 512
GRID = NPAD // BR

_mesh = functools.partial(
    plsc.VectorSubcoreMesh, core_axis_name="c", subcore_axis_name="s")


@functools.partial(
    pl.kernel,
    out_type=jax.ShapeDtypeStruct((NW, NPAD), jnp.float32),
    mesh=_mesh(),
    compiler_params=pltpu.CompilerParams(needs_layout_passes=False),
    scratch_types=[
        pltpu.VMEM((KTOT, CH), jnp.int32),
        pltpu.VMEM((NPAD,), jnp.float32),
    ],
)
def _deg_hist(dstp_hbm, out_hbm, dstb, hist):
    cid = lax.axis_index("c")
    sid = lax.axis_index("s")
    wid = cid * NS + sid
    pltpu.sync_copy(dstp_hbm.at[wid], dstb)

    def zero_body(i, c):
        hist[pl.ds(i * 16, 16)] = jnp.zeros((16,), jnp.float32)
        return c

    lax.fori_loop(0, NPAD // 16, zero_body, 0)
    ones = jnp.ones((16,), jnp.float32)

    def chunk_body(j, c):
        def vec_body(k, c2):
            idx = dstb[j, pl.ds(k * 16, 16)]
            plsc.addupdate_scatter(hist, [idx], ones)
            return c2
        return lax.fori_loop(0, CH // 16, vec_body, c)

    lax.fori_loop(0, KCH, chunk_body, 0)
    pltpu.sync_copy(hist, out_hbm.at[wid])


def _make_agg(D):
    @functools.partial(
        pl.kernel,
        out_type=jax.ShapeDtypeStruct((NC, NPAD, D), jnp.float32),
        mesh=_mesh(),
        compiler_params=pltpu.CompilerParams(use_tc_tiling_on_sc=False),
        scratch_types=[
            pltpu.VMEM((KTOT, CH), jnp.int32),
            pltpu.VMEM((KTOT, CH), jnp.int32),
            pltpu.VMEM((CH, D), jnp.float32),
            pltpu.VMEM((CH, D), jnp.float32),
            pltpu.VMEM_SHARED((NPAD, D), jnp.float32),
            pltpu.VMEM_SHARED((NPAD, D), jnp.float32),
            pltpu.SemaphoreType.DMA,
            pltpu.SemaphoreType.DMA,
        ],
    )
    def agg(u_hbm, srcp_hbm, dstp_hbm, zeros_hbm, out_hbm,
            srcb, dstb, buf0, buf1, ustage, accum, sem0, sem1):
        cid = lax.axis_index("c")
        sid = lax.axis_index("s")
        wid = cid * NS + sid
        ca = pltpu.async_copy(srcp_hbm.at[wid], srcb, sem0)
        cb = pltpu.async_copy(dstp_hbm.at[wid], dstb, sem1)
        pltpu.sync_copy(u_hbm.at[pl.ds(sid * ROWS, ROWS)],
                        ustage.at[pl.ds(sid * ROWS, ROWS)])
        pltpu.sync_copy(zeros_hbm.at[pl.ds(sid * ROWS, ROWS)],
                        accum.at[pl.ds(sid * ROWS, ROWS)])
        ca.wait()
        cb.wait()
        plsc.subcore_barrier()

        pltpu.async_copy(ustage.at[srcb.at[0]], buf0, sem0)

        def body(i, c):
            j0 = 2 * i
            pltpu.async_copy(ustage.at[srcb.at[j0 + 1]], buf1, sem1)
            pltpu.make_async_copy(ustage.at[srcb.at[j0]], buf0, sem0).wait()
            pltpu.sync_copy(buf0, accum.at[dstb.at[j0]], add=True)
            pltpu.async_copy(ustage.at[srcb.at[j0 + 2]], buf0, sem0)
            pltpu.make_async_copy(ustage.at[srcb.at[j0 + 1]], buf1,
                                  sem1).wait()
            pltpu.sync_copy(buf1, accum.at[dstb.at[j0 + 1]], add=True)
            return c

        lax.fori_loop(0, KCH // 2, body, 0)
        pltpu.make_async_copy(ustage.at[srcb.at[KCH]], buf0, sem0).wait()
        plsc.subcore_barrier()
        pltpu.sync_copy(accum.at[pl.ds(sid * ROWS, ROWS)],
                        out_hbm.at[cid, pl.ds(sid * ROWS, ROWS)])

    return agg


_agg64 = _make_agg(HID)
_agg32 = _make_agg(OUT3)


_HI = lax.Precision.HIGHEST


def _dinv_of(degh_blk):
    deg = lax.dot_general(degh_blk, jnp.ones((NW, 1), jnp.float32),
                          (((0,), (0,)), ((), ())),
                          precision=_HI,
                          preferred_element_type=jnp.float32) + 1.0
    r = lax.rsqrt(deg)
    return r * (1.5 - 0.5 * deg * r * r)


def _k0_body(x_ref, w_ref, degT_ref, u_ref):
    dinv = _dinv_of(degT_ref[...])
    u_ref[...] = dinv * jnp.dot(x_ref[...], w_ref[...],
                                preferred_element_type=jnp.float32)


def _k0(xp, W1, degT):
    return pl.pallas_call(
        _k0_body,
        grid=(GRID,),
        in_specs=[
            pl.BlockSpec((BR, IN_DIM), lambda i: (i, 0)),
            pl.BlockSpec((IN_DIM, HID), lambda i: (0, 0)),
            pl.BlockSpec((NW, BR), lambda i: (0, i)),
        ],
        out_specs=pl.BlockSpec((BR, HID), lambda i: (i, 0)),
        out_shape=jax.ShapeDtypeStruct((NPAD, HID), jnp.float32),
    )(xp, W1, degT)


def _mid_body(s_ref, u_ref, degT_ref, b_ref, w_ref, o_ref):
    dinv = _dinv_of(degT_ref[...])
    h = jax.nn.relu(dinv * (s_ref[0] + s_ref[1] + u_ref[...]) + b_ref[...])
    o_ref[...] = dinv * jnp.dot(h, w_ref[...],
                                preferred_element_type=jnp.float32)


def _kmid(S, u, degT, b, W, dout):
    din = u.shape[1]
    return pl.pallas_call(
        _mid_body,
        grid=(GRID,),
        in_specs=[
            pl.BlockSpec((NC, BR, din), lambda i: (0, i, 0)),
            pl.BlockSpec((BR, din), lambda i: (i, 0)),
            pl.BlockSpec((NW, BR), lambda i: (0, i)),
            pl.BlockSpec((1, din), lambda i: (0, 0)),
            pl.BlockSpec((din, dout), lambda i: (0, 0)),
        ],
        out_specs=pl.BlockSpec((BR, dout), lambda i: (i, 0)),
        out_shape=jax.ShapeDtypeStruct((NPAD, dout), jnp.float32),
    )(S, u, degT, b, W)


def _k3_body(s_ref, u_ref, degT_ref, b_ref, wh1_ref, bh1_ref, wh2_ref,
             bh2_ref, y_ref, acc_ref):
    i = pl.program_id(0)
    dinv = _dinv_of(degT_ref[...])
    h = jax.nn.relu(dinv * (s_ref[0] + s_ref[1] + u_ref[...]) + b_ref[...])
    row = lax.broadcasted_iota(jnp.int32, (BR, 1), 0) + i * BR
    h = jnp.where(row < N, h, 0.0)
    part = jnp.sum(h.reshape(BR // 8, 8, OUT3), axis=0)

    @pl.when(i == 0)
    def _():
        acc_ref[...] = part

    @pl.when(i > 0)
    def _():
        acc_ref[...] = acc_ref[...] + part

    @pl.when(i == GRID - 1)
    def _():
        g = jnp.sum(acc_ref[...], axis=0, keepdims=True) * (1.0 / N)
        z = jax.nn.relu(jnp.dot(g, wh1_ref[...],
                                preferred_element_type=jnp.float32)
                        + bh1_ref[...])
        y_ref[...] = (jnp.dot(z, wh2_ref[...],
                              preferred_element_type=jnp.float32)
                      + bh2_ref[...])


def _k3(S, u, degT, b3, Wh1, bh1, Wh2, bh2):
    return pl.pallas_call(
        _k3_body,
        grid=(GRID,),
        in_specs=[
            pl.BlockSpec((NC, BR, OUT3), lambda i: (0, i, 0)),
            pl.BlockSpec((BR, OUT3), lambda i: (i, 0)),
            pl.BlockSpec((NW, BR), lambda i: (0, i)),
            pl.BlockSpec((1, OUT3), lambda i: (0, 0)),
            pl.BlockSpec((OUT3, OUT3), lambda i: (0, 0)),
            pl.BlockSpec((1, OUT3), lambda i: (0, 0)),
            pl.BlockSpec((OUT3, 1), lambda i: (0, 0)),
            pl.BlockSpec((1, 1), lambda i: (0, 0)),
        ],
        out_specs=pl.BlockSpec((1, 1), lambda i: (0, 0)),
        out_shape=jax.ShapeDtypeStruct((1, 1), jnp.float32),
        scratch_shapes=[pltpu.VMEM((8, OUT3), jnp.float32)],
    )(S, u, degT, b3, Wh1, bh1, Wh2, bh2)


def kernel(x, edge_index, batch, W1, b1, W2, b2, W3, b3, Wh1, bh1, Wh2, bh2):
    del batch
    xp = jnp.pad(x, ((0, NPAD - N), (0, 0)))
    pad = jnp.full((EP - E,), N, jnp.int32)
    dummy = jnp.full((NW, 1, CH), N, jnp.int32)
    srcp = jnp.concatenate(
        [jnp.concatenate([edge_index[0], pad]).reshape(NW, KCH, CH), dummy],
        axis=1)
    dstp = jnp.concatenate(
        [jnp.concatenate([edge_index[1], pad]).reshape(NW, KCH, CH), dummy],
        axis=1)
    z64 = jnp.zeros((NPAD, HID), jnp.float32)
    z32 = jnp.zeros((NPAD, OUT3), jnp.float32)

    degT = _deg_hist(dstp)
    u1 = _k0(xp, W1, degT)
    S1 = _agg64(u1, srcp, dstp, z64)
    u2 = _kmid(S1, u1, degT, b1.reshape(1, -1), W2, HID)
    S2 = _agg64(u2, srcp, dstp, z64)
    u3 = _kmid(S2, u2, degT, b2.reshape(1, -1), W3, OUT3)
    S3 = _agg32(u3, srcp, dstp, z32)
    y = _k3(S3, u3, degT, b3.reshape(1, -1), Wh1, bh1.reshape(1, -1),
            Wh2, bh2.reshape(1, -1))
    return y.reshape(1)

# --- scband reference (transcript-rebuilt; emitter-appended) ---
"""Pipeline reference for scband-mutation-aware-gnn-11630771438397 (READ-ONLY COPY).

The authoritative reference and input builder live on the scoring server;
editing this copy changes nothing except your own understanding.
"""

import jax, jax.numpy as jnp
import numpy as np

N = 10000
E = 320000
IN_DIM = 128
HID = 64
OUT3 = 32


def setup_inputs(seed: int = 0) -> dict:
    key = jax.random.key(seed)
    ks = jax.random.split(key, 14)
    x = jax.random.normal(ks[0], (N, IN_DIM), dtype=jnp.float32)
    edge_index = jax.random.randint(ks[1], (2, E), 0, N, dtype=jnp.int32)
    batch = jnp.zeros((N,), dtype=jnp.int32)
    def glorot(k, shape):
        fan_in, fan_out = shape
        lim = (6.0 / (fan_in + fan_out)) ** 0.5
        return jax.random.uniform(k, shape, dtype=jnp.float32, minval=-lim, maxval=lim)
    W1 = glorot(ks[2], (IN_DIM, HID)); b1 = jnp.zeros((HID,), jnp.float32)
    W2 = glorot(ks[3], (HID, HID)); b2 = jnp.zeros((HID,), jnp.float32)
    W3 = glorot(ks[4], (HID, OUT3)); b3 = jnp.zeros((OUT3,), jnp.float32)
    Wh1 = glorot(ks[5], (OUT3, OUT3)); bh1 = jnp.zeros((OUT3,), jnp.float32)
    Wh2 = glorot(ks[6], (OUT3, 1)); bh2 = jnp.zeros((1,), jnp.float32)
    return {"x": x, "edge_index": edge_index, "batch": batch,
            "W1": W1, "b1": b1, "W2": W2, "b2": b2, "W3": W3, "b3": b3,
            "Wh1": Wh1, "bh1": bh1, "Wh2": Wh2, "bh2": bh2}


def reference(x, edge_index, batch, W1, b1, W2, b2, W3, b3, Wh1, bh1, Wh2, bh2):
    # GCNConv: sym-normalized adjacency with self-loops: D^-1/2 (A+I) D^-1/2 X W + b
    src = edge_index[0]
    dst = edge_index[1]
    loop = jnp.arange(N, dtype=src.dtype)
    src = jnp.concatenate([src, loop])
    dst = jnp.concatenate([dst, loop])
    deg = jnp.zeros((N,), jnp.float32).at[dst].add(1.0)
    dinv = jnp.where(deg > 0, deg ** -0.5, 0.0)
    norm = dinv[src] * dinv[dst]

    def conv(h, W, b):
        h = h @ W
        msgs = h[src] * norm[:, None]
        return jax.ops.segment_sum(msgs, dst, num_segments=N) + b

    h = jax.nn.relu(conv(x, W1, b1))
    h = jax.nn.relu(conv(h, W2, b2))
    h = jax.nn.relu(conv(h, W3, b3))
    # global_mean_pool over batch (single graph: all zeros)
    NB = 1
    sums = jax.ops.segment_sum(h, batch, num_segments=NB)
    cnt = jax.ops.segment_sum(jnp.ones((N, 1), jnp.float32), batch, num_segments=NB)
    g = sums / jnp.maximum(cnt, 1.0)
    y = jax.nn.relu(g @ Wh1 + bh1) @ Wh2 + bh2
    return y.squeeze(-1)

if __name__ == "__main__":
    import jax
    _d = setup_inputs()
    print(jax.jit(kernel)(*tuple(_d.values())))

</pallas_src>

<mosaic_0001>
#map = affine_map<(d0, d1) -> (0, 0)>
#map1 = affine_map<(d0, d1) -> (0, 0, 0)>
module attributes {stable_mosaic.version = 14 : i64} {
  func.func @agg(%arg0: i32, %arg1: i32, %arg2: memref<10240x64xf32, #tpu.memory_space<hbm>>, %arg3: memref<32x81x128xi32, #tpu.memory_space<hbm>>, %arg4: memref<32x81x128xi32, #tpu.memory_space<hbm>>, %arg5: memref<10240x64xf32, #tpu.memory_space<hbm>>, %arg6: memref<2x10240x64xf32, #tpu.memory_space<hbm>>, %arg7: memref<81x128xi32, #tpu.memory_space<vmem>>, %arg8: memref<81x128xi32, #tpu.memory_space<vmem>>, %arg9: memref<128x64xf32, #tpu.memory_space<vmem>>, %arg10: memref<128x64xf32, #tpu.memory_space<vmem>>, %arg11: memref<10240x64xf32, #tpu.memory_space<vmem_shared>>, %arg12: memref<10240x64xf32, #tpu.memory_space<vmem_shared>>, %arg13: memref<!tpu.dma_semaphore, #tpu.memory_space<semaphore_mem>>, %arg14: memref<!tpu.dma_semaphore, #tpu.memory_space<semaphore_mem>>) attributes {dimension_semantics = [#tpu.dimension_semantics<core_parallel>, #tpu.dimension_semantics<subcore_parallel>], iteration_bounds = array<i64: 2, 16>, scalar_prefetch = 0 : i64, scratch_operands = 8 : i64, tpu.core_type = #tpu.core_type<sc_vector_subcore>, window_params = [{transform_indices = #map}, {transform_indices = #map1}, {transform_indices = #map1}, {transform_indices = #map}, {transform_indices = #map1}]} {
    %mul3A = arith.constant 16 : i32
    %mul3A_0 = arith.muli %arg0, %mul3A : i32
    %add3A = arith.addi %mul3A_0, %arg1 : i32
    %dma_start3A = arith.constant 0 : i32
    %dma_start3A_1 = arith.constant 0 : i32
    %dma_start3A_2 = tpu.memref_slice %arg3[%add3A, %dma_start3A, %dma_start3A_1] : memref<32x81x128xi32, #tpu.memory_space<hbm>> -> memref<1x81x128xi32, #tpu.memory_space<hbm>>
    %dma_start3A_3 = tpu.memref_squeeze %dma_start3A_2 : memref<1x81x128xi32, #tpu.memory_space<hbm>> -> memref<81x128xi32, #tpu.memory_space<hbm>>
    %dma_start3A_4 = arith.constant 0 : i32
    %dma_start3A_5 = arith.constant 0 : i32
    %dma_start3A_6 = tpu.memref_slice %arg3[%add3A, %dma_start3A_4, %dma_start3A_5] : memref<32x81x128xi32, #tpu.memory_space<hbm>> -> memref<1x81x128xi32, #tpu.memory_space<hbm>>
    %dma_start3A_7 = tpu.memref_squeeze %dma_start3A_6 : memref<1x81x128xi32, #tpu.memory_space<hbm>> -> memref<81x128xi32, #tpu.memory_space<hbm>>
    tpu.enqueue_dma source(%dma_start3A_7 : memref<81x128xi32, #tpu.memory_space<hbm>>) target(%arg7 : memref<81x128xi32, #tpu.memory_space<vmem>>) target_semaphore(%arg13 : memref<!tpu.dma_semaphore, #tpu.memory_space<semaphore_mem>>)
    %dma_start3A_8 = arith.constant 0 : i32
    %dma_start3A_9 = arith.constant 0 : i32
    %dma_start3A_10 = tpu.memref_slice %arg4[%add3A, %dma_start3A_8, %dma_start3A_9] : memref<32x81x128xi32, #tpu.memory_space<hbm>> -> memref<1x81x128xi32, #tpu.memory_space<hbm>>
    %dma_start3A_11 = tpu.memref_squeeze %dma_start3A_10 : memref<1x81x128xi32, #tpu.memory_space<hbm>> -> memref<81x128xi32, #tpu.memory_space<hbm>>
    %dma_start3A_12 = arith.constant 0 : i32
    %dma_start3A_13 = arith.constant 0 : i32
    %dma_start3A_14 = tpu.memref_slice %arg4[%add3A, %dma_start3A_12, %dma_start3A_13] : memref<32x81x128xi32, #tpu.memory_space<hbm>> -> memref<1x81x128xi32, #tpu.memory_space<hbm>>
    %dma_start3A_15 = tpu.memref_squeeze %dma_start3A_14 : memref<1x81x128xi32, #tpu.memory_space<hbm>> -> memref<81x128xi32, #tpu.memory_space<hbm>>
    tpu.enqueue_dma source(%dma_start3A_15 : memref<81x128xi32, #tpu.memory_space<hbm>>) target(%arg8 : memref<81x128xi32, #tpu.memory_space<vmem>>) target_semaphore(%arg14 : memref<!tpu.dma_semaphore, #tpu.memory_space<semaphore_mem>>)
    %mul3A_16 = arith.constant 640 : i32
    %mul3A_17 = arith.muli %arg1, %mul3A_16 : i32
    %mul3A_18 = arith.constant 640 : i32
    %mul3A_19 = arith.muli %arg1, %mul3A_18 : i32
    "tpu.region"() ({
      %run_scoped3A = tpu.sem_alloc : memref<!tpu.dma_semaphore, #tpu.memory_space<semaphore_mem>>
      %dma_start3A_63 = arith.constant 0 : i32
      %dma_start3A_64 = tpu.memref_slice %arg11[%mul3A_19, %dma_start3A_63] : memref<10240x64xf32, #tpu.memory_space<vmem_shared>> -> memref<640x64xf32, #tpu.memory_space<vmem_shared>>
      %dma_start3A_65 = arith.constant 0 : i32
      %dma_start3A_66 = tpu.memref_slice %arg2[%mul3A_17, %dma_start3A_65] : memref<10240x64xf32, #tpu.memory_space<hbm>> -> memref<640x64xf32, #tpu.memory_space<hbm>>
      tpu.enqueue_dma source(%dma_start3A_66 : memref<640x64xf32, #tpu.memory_space<hbm>>) target(%dma_start3A_64 : memref<640x64xf32, #tpu.memory_space<vmem_shared>>) target_semaphore(%run_scoped3A : memref<!tpu.dma_semaphore, #tpu.memory_space<semaphore_mem>>)
      %dma_wait3A_67 = arith.constant 0 : i32
      %dma_wait3A_68 = tpu.memref_slice %arg11[%mul3A_19, %dma_wait3A_67] : memref<10240x64xf32, #tpu.memory_space<vmem_shared>> -> memref<640x64xf32, #tpu.memory_space<vmem_shared>>
      %dma_wait3A_69 = arith.constant 0 : i32
      %dma_wait3A_70 = tpu.memref_slice %arg2[%mul3A_17, %dma_wait3A_69] : memref<10240x64xf32, #tpu.memory_space<hbm>> -> memref<640x64xf32, #tpu.memory_space<hbm>>
      tpu.wait_dma2 semaphore(%run_scoped3A : memref<!tpu.dma_semaphore, #tpu.memory_space<semaphore_mem>>) src(%dma_wait3A_70 : memref<640x64xf32, #tpu.memory_space<hbm>>) dst(%dma_wait3A_68 : memref<640x64xf32, #tpu.memory_space<vmem_shared>>)
      tpu.yield
    }) : () -> ()
    %mul3A_20 = arith.constant 640 : i32
    %mul3A_21 = arith.muli %arg1, %mul3A_20 : i32
    %mul3A_22 = arith.constant 640 : i32
    %mul3A_23 = arith.muli %arg1, %mul3A_22 : i32
    "tpu.region"() ({
      %run_scoped3A = tpu.sem_alloc : memref<!tpu.dma_semaphore, #tpu.memory_space<semaphore_mem>>
      %dma_start3A_63 = arith.constant 0 : i32
      %dma_start3A_64 = tpu.memref_slice %arg12[%mul3A_23, %dma_start3A_63] : memref<10240x64xf32, #tpu.memory_space<vmem_shared>> -> memref<640x64xf32, #tpu.memory_space<vmem_shared>>
      %dma_start3A_65 = arith.constant 0 : i32
      %dma_start3A_66 = tpu.memref_slice %arg5[%mul3A_21, %dma_start3A_65] : memref<10240x64xf32, #tpu.memory_space<hbm>> -> memref<640x64xf32, #tpu.memory_space<hbm>>
      tpu.enqueue_dma source(%dma_start3A_66 : memref<640x64xf32, #tpu.memory_space<hbm>>) target(%dma_start3A_64 : memref<640x64xf32, #tpu.memory_space<vmem_shared>>) target_semaphore(%run_scoped3A : memref<!tpu.dma_semaphore, #tpu.memory_space<semaphore_mem>>)
      %dma_wait3A_67 = arith.constant 0 : i32
      %dma_wait3A_68 = tpu.memref_slice %arg12[%mul3A_23, %dma_wait3A_67] : memref<10240x64xf32, #tpu.memory_space<vmem_shared>> -> memref<640x64xf32, #tpu.memory_space<vmem_shared>>
      %dma_wait3A_69 = arith.constant 0 : i32
      %dma_wait3A_70 = tpu.memref_slice %arg5[%mul3A_21, %dma_wait3A_69] : memref<10240x64xf32, #tpu.memory_space<hbm>> -> memref<640x64xf32, #tpu.memory_space<hbm>>
      tpu.wait_dma2 semaphore(%run_scoped3A : memref<!tpu.dma_semaphore, #tpu.memory_space<semaphore_mem>>) src(%dma_wait3A_70 : memref<640x64xf32, #tpu.memory_space<hbm>>) dst(%dma_wait3A_68 : memref<640x64xf32, #tpu.memory_space<vmem_shared>>)
      tpu.yield
    }) : () -> ()
    %dma_wait3A = arith.constant 0 : i32
    %dma_wait3A_24 = arith.constant 0 : i32
    %dma_wait3A_25 = tpu.memref_slice %arg3[%add3A, %dma_wait3A, %dma_wait3A_24] : memref<32x81x128xi32, #tpu.memory_space<hbm>> -> memref<1x81x128xi32, #tpu.memory_space<hbm>>
    %dma_wait3A_26 = tpu.memref_squeeze %dma_wait3A_25 : memref<1x81x128xi32, #tpu.memory_space<hbm>> -> memref<81x128xi32, #tpu.memory_space<hbm>>
    %dma_wait3A_27 = arith.constant 0 : i32
    %dma_wait3A_28 = arith.constant 0 : i32
    %dma_wait3A_29 = tpu.memref_slice %arg3[%add3A, %dma_wait3A_27, %dma_wait3A_28] : memref<32x81x128xi32, #tpu.memory_space<hbm>> -> memref<1x81x128xi32, #tpu.memory_space<hbm>>
    %dma_wait3A_30 = tpu.memref_squeeze %dma_wait3A_29 : memref<1x81x128xi32, #tpu.memory_space<hbm>> -> memref<81x128xi32, #tpu.memory_space<hbm>>
    tpu.wait_dma2 semaphore(%arg13 : memref<!tpu.dma_semaphore, #tpu.memory_space<semaphore_mem>>) src(%dma_wait3A_30 : memref<81x128xi32, #tpu.memory_space<hbm>>) dst(%arg7 : memref<81x128xi32, #tpu.memory_space<vmem>>)
    %dma_wait3A_31 = arith.constant 0 : i32
    %dma_wait3A_32 = arith.constant 0 : i32
    %dma_wait3A_33 = tpu.memref_slice %arg4[%add3A, %dma_wait3A_31, %dma_wait3A_32] : memref<32x81x128xi32, #tpu.memory_space<hbm>> -> memref<1x81x128xi32, #tpu.memory_space<hbm>>
    %dma_wait3A_34 = tpu.memref_squeeze %dma_wait3A_33 : memref<1x81x128xi32, #tpu.memory_space<hbm>> -> memref<81x128xi32, #tpu.memory_space<hbm>>
    %dma_wait3A_35 = arith.constant 0 : i32
    %dma_wait3A_36 = arith.constant 0 : i32
    %dma_wait3A_37 = tpu.memref_slice %arg4[%add3A, %dma_wait3A_35, %dma_wait3A_36] : memref<32x81x128xi32, #tpu.memory_space<hbm>> -> memref<1x81x128xi32, #tpu.memory_space<hbm>>
    %dma_wait3A_38 = tpu.memref_squeeze %dma_wait3A_37 : memref<1x81x128xi32, #tpu.memory_space<hbm>> -> memref<81x128xi32, #tpu.memory_space<hbm>>
    tpu.wait_dma2 semaphore(%arg14 : memref<!tpu.dma_semaphore, #tpu.memory_space<semaphore_mem>>) src(%dma_wait3A_38 : memref<81x128xi32, #tpu.memory_space<hbm>>) dst(%arg8 : memref<81x128xi32, #tpu.memory_space<vmem>>)
    %barrier3A = arith.constant 0 : index
    tpu.barrier barrier_id(%barrier3A)
    %dma_start3A_39 = arith.constant 0 : i32
    %dma_start3A_40 = arith.constant 0 : i32
    %dma_start3A_41 = tpu.memref_slice %arg7[%dma_start3A_39, %dma_start3A_40] : memref<81x128xi32, #tpu.memory_space<vmem>> -> memref<1x128xi32, #tpu.memory_space<vmem>>
    %dma_start3A_42 = tpu.memref_squeeze %dma_start3A_41 : memref<1x128xi32, #tpu.memory_space<vmem>> -> memref<128xi32, #tpu.memory_space<vmem>>
    %dma_start3A_43 = arith.constant 0 : i32
    %dma_start3A_44 = arith.constant 0 : i32
    %dma_start3A_45 = tpu.memref_slice %arg11[%dma_start3A_43, %dma_start3A_44] : memref<10240x64xf32, #tpu.memory_space<vmem_shared>> -> memref<10240x64xf32, #tpu.memory_space<vmem_shared>>
    tpu.enqueue_indirect_dma source(%dma_start3A_45 : memref<10240x64xf32, #tpu.memory_space<vmem_shared>>) target(%arg9 : memref<128x64xf32, #tpu.memory_space<vmem>>) offsets(%dma_start3A_42 : memref<128xi32, #tpu.memory_space<vmem>>) semaphore(%arg13 : memref<!tpu.dma_semaphore, #tpu.memory_space<semaphore_mem>>)
    %scan3A = arith.constant 0 : i32
    %scan3A_46 = arith.constant 0 : i32
    %scan3A_47 = arith.constant 40 : i32
    %scan3A_48 = arith.addi %scan3A_46, %scan3A_47 : i32
    %scan3A_49 = arith.constant 1 : i32
    scf.for %scan3A_63 = %scan3A_46 to %scan3A_48 step %scan3A_49  : i32 {
      %mul3A_64 = arith.constant 2 : i32
      %mul3A_65 = arith.muli %mul3A_64, %scan3A_63 : i32
      %add3A_66 = arith.constant 1 : i32
      %add3A_67 = arith.addi %mul3A_65, %add3A_66 : i32
      %dma_start3A_68 = arith.constant 0 : i32
      %dma_start3A_69 = tpu.memref_slice %arg7[%add3A_67, %dma_start3A_68] : memref<81x128xi32, #tpu.memory_space<vmem>> -> memref<1x128xi32, #tpu.memory_space<vmem>>
      %dma_start3A_70 = tpu.memref_squeeze %dma_start3A_69 : memref<1x128xi32, #tpu.memory_space<vmem>> -> memref<128xi32, #tpu.memory_space<vmem>>
      %dma_start3A_71 = arith.constant 0 : i32
      %dma_start3A_72 = arith.constant 0 : i32
      %dma_start3A_73 = tpu.memref_slice %arg11[%dma_start3A_71, %dma_start3A_72] : memref<10240x64xf32, #tpu.memory_space<vmem_shared>> -> memref<10240x64xf32, #tpu.memory_space<vmem_shared>>
      tpu.enqueue_indirect_dma source(%dma_start3A_73 : memref<10240x64xf32, #tpu.memory_space<vmem_shared>>) target(%arg10 : memref<128x64xf32, #tpu.memory_space<vmem>>) offsets(%dma_start3A_70 : memref<128xi32, #tpu.memory_space<vmem>>) semaphore(%arg14 : memref<!tpu.dma_semaphore, #tpu.memory_space<semaphore_mem>>)
      %dma_wait3A_74 = arith.constant 0 : i32
      %dma_wait3A_75 = tpu.memref_slice %arg7[%mul3A_65, %dma_wait3A_74] : memref<81x128xi32, #tpu.memory_space<vmem>> -> memref<1x128xi32, #tpu.memory_space<vmem>>
      %dma_wait3A_76 = tpu.memref_squeeze %dma_wait3A_75 : memref<1x128xi32, #tpu.memory_space<vmem>> -> memref<128xi32, #tpu.memory_space<vmem>>
      %dma_wait3A_77 = arith.constant 0 : i32
      %dma_wait3A_78 = arith.constant 0 : i32
      %dma_wait3A_79 = tpu.memref_slice %arg11[%dma_wait3A_77, %dma_wait3A_78] : memref<10240x64xf32, #tpu.memory_space<vmem_shared>> -> memref<10240x64xf32, #tpu.memory_space<vmem_shared>>
      tpu.wait_indirect_dma semaphore(%arg13 : memref<!tpu.dma_semaphore, #tpu.memory_space<semaphore_mem>>) src(%dma_wait3A_79 : memref<10240x64xf32, #tpu.memory_space<vmem_shared>>) dst(%arg9 : memref<128x64xf32, #tpu.memory_space<vmem>>)
      "tpu.region"() ({
        %run_scoped3A = tpu.sem_alloc : memref<!tpu.dma_semaphore, #tpu.memory_space<semaphore_mem>>
        %dma_start3A_98 = arith.constant 0 : i32
        %dma_start3A_99 = tpu.memref_slice %arg8[%mul3A_65, %dma_start3A_98] : memref<81x128xi32, #tpu.memory_space<vmem>> -> memref<1x128xi32, #tpu.memory_space<vmem>>
        %dma_start3A_100 = tpu.memref_squeeze %dma_start3A_99 : memref<1x128xi32, #tpu.memory_space<vmem>> -> memref<128xi32, #tpu.memory_space<vmem>>
        %dma_start3A_101 = arith.constant 0 : i32
        %dma_start3A_102 = arith.constant 0 : i32
        %dma_start3A_103 = tpu.memref_slice %arg12[%dma_start3A_101, %dma_start3A_102] : memref<10240x64xf32, #tpu.memory_space<vmem_shared>> -> memref<10240x64xf32, #tpu.memory_space<vmem_shared>>
        tpu.enqueue_indirect_dma source(%arg9 : memref<128x64xf32, #tpu.memory_space<vmem>>) target(%dma_start3A_103 : memref<10240x64xf32, #tpu.memory_space<vmem_shared>>) offsets(%dma_start3A_100 : memref<128xi32, #tpu.memory_space<vmem>>) semaphore(%run_scoped3A : memref<!tpu.dma_semaphore, #tpu.memory_space<semaphore_mem>>) {add = true}
        %dma_wait3A_104 = arith.constant 0 : i32
        %dma_wait3A_105 = tpu.memref_slice %arg8[%mul3A_65, %dma_wait3A_104] : memref<81x128xi32, #tpu.memory_space<vmem>> -> memref<1x128xi32, #tpu.memory_space<vmem>>
        %dma_wait3A_106 = tpu.memref_squeeze %dma_wait3A_105 : memref<1x128xi32, #tpu.memory_space<vmem>> -> memref<128xi32, #tpu.memory_space<vmem>>
        %dma_wait3A_107 = arith.constant 0 : i32
        %dma_wait3A_108 = arith.constant 0 : i32
        %dma_wait3A_109 = tpu.memref_slice %arg12[%dma_wait3A_107, %dma_wait3A_108] : memref<10240x64xf32, #tpu.memory_space<vmem_shared>> -> memref<10240x64xf32, #tpu.memory_space<vmem_shared>>
        tpu.wait_indirect_dma semaphore(%run_scoped3A : memref<!tpu.dma_semaphore, #tpu.memory_space<semaphore_mem>>) src(%arg9 : memref<128x64xf32, #tpu.memory_space<vmem>>) dst(%dma_wait3A_109 : memref<10240x64xf32, #tpu.memory_space<vmem_shared>>)
        tpu.yield
      }) : () -> ()
      %add3A_80 = arith.constant 2 : i32
      %add3A_81 = arith.addi %mul3A_65, %add3A_80 : i32
      %dma_start3A_82 = arith.constant 0 : i32
      %dma_start3A_83 = tpu.memref_slice %arg7[%add3A_81, %dma_start3A_82] : memref<81x128xi32, #tpu.memory_space<vmem>> -> memref<1x128xi32, #tpu.memory_space<vmem>>
      %dma_start3A_84 = tpu.memref_squeeze %dma_start3A_83 : memref<1x128xi32, #tpu.memory_space<vmem>> -> memref<128xi32, #tpu.memory_space<vmem>>
      %dma_start3A_85 = arith.constant 0 : i32
      %dma_start3A_86 = arith.constant 0 : i32
      %dma_start3A_87 = tpu.memref_slice %arg11[%dma_start3A_85, %dma_start3A_86] : memref<10240x64xf32, #tpu.memory_space<vmem_shared>> -> memref<10240x64xf32, #tpu.memory_space<vmem_shared>>
      tpu.enqueue_indirect_dma source(%dma_start3A_87 : memref<10240x64xf32, #tpu.memory_space<vmem_shared>>) target(%arg9 : memref<128x64xf32, #tpu.memory_space<vmem>>) offsets(%dma_start3A_84 : memref<128xi32, #tpu.memory_space<vmem>>) semaphore(%arg13 : memref<!tpu.dma_semaphore, #tpu.memory_space<semaphore_mem>>)
      %add3A_88 = arith.constant 1 : i32
      %add3A_89 = arith.addi %mul3A_65, %add3A_88 : i32
      %dma_wait3A_90 = arith.constant 0 : i32
      %dma_wait3A_91 = tpu.memref_slice %arg7[%add3A_89, %dma_wait3A_90] : memref<81x128xi32, #tpu.memory_space<vmem>> -> memref<1x128xi32, #tpu.memory_space<vmem>>
      %dma_wait3A_92 = tpu.memref_squeeze %dma_wait3A_91 : memref<1x128xi32, #tpu.memory_space<vmem>> -> memref<128xi32, #tpu.memory_space<vmem>>
      %dma_wait3A_93 = arith.constant 0 : i32
      %dma_wait3A_94 = arith.constant 0 : i32
      %dma_wait3A_95 = tpu.memref_slice %arg11[%dma_wait3A_93, %dma_wait3A_94] : memref<10240x64xf32, #tpu.memory_space<vmem_shared>> -> memref<10240x64xf32, #tpu.memory_space<vmem_shared>>
      tpu.wait_indirect_dma semaphore(%arg14 : memref<!tpu.dma_semaphore, #tpu.memory_space<semaphore_mem>>) src(%dma_wait3A_95 : memref<10240x64xf32, #tpu.memory_space<vmem_shared>>) dst(%arg10 : memref<128x64xf32, #tpu.memory_space<vmem>>)
      %add3A_96 = arith.constant 1 : i32
      %add3A_97 = arith.addi %mul3A_65, %add3A_96 : i32
      "tpu.region"() ({
        %run_scoped3A = tpu.sem_alloc : memref<!tpu.dma_semaphore, #tpu.memory_space<semaphore_mem>>
        %dma_start3A_98 = arith.constant 0 : i32
        %dma_start3A_99 = tpu.memref_slice %arg8[%add3A_97, %dma_start3A_98] : memref<81x128xi32, #tpu.memory_space<vmem>> -> memref<1x128xi32, #tpu.memory_space<vmem>>
        %dma_start3A_100 = tpu.memref_squeeze %dma_start3A_99 : memref<1x128xi32, #tpu.memory_space<vmem>> -> memref<128xi32, #tpu.memory_space<vmem>>
        %dma_start3A_101 = arith.constant 0 : i32
        %dma_start3A_102 = arith.constant 0 : i32
        %dma_start3A_103 = tpu.memref_slice %arg12[%dma_start3A_101, %dma_start3A_102] : memref<10240x64xf32, #tpu.memory_space<vmem_shared>> -> memref<10240x64xf32, #tpu.memory_space<vmem_shared>>
        tpu.enqueue_indirect_dma source(%arg10 : memref<128x64xf32, #tpu.memory_space<vmem>>) target(%dma_start3A_103 : memref<10240x64xf32, #tpu.memory_space<vmem_shared>>) offsets(%dma_start3A_100 : memref<128xi32, #tpu.memory_space<vmem>>) semaphore(%run_scoped3A : memref<!tpu.dma_semaphore, #tpu.memory_space<semaphore_mem>>) {add = true}
        %dma_wait3A_104 = arith.constant 0 : i32
        %dma_wait3A_105 = tpu.memref_slice %arg8[%add3A_97, %dma_wait3A_104] : memref<81x128xi32, #tpu.memory_space<vmem>> -> memref<1x128xi32, #tpu.memory_space<vmem>>
        %dma_wait3A_106 = tpu.memref_squeeze %dma_wait3A_105 : memref<1x128xi32, #tpu.memory_space<vmem>> -> memref<128xi32, #tpu.memory_space<vmem>>
        %dma_wait3A_107 = arith.constant 0 : i32
        %dma_wait3A_108 = arith.constant 0 : i32
        %dma_wait3A_109 = tpu.memref_slice %arg12[%dma_wait3A_107, %dma_wait3A_108] : memref<10240x64xf32, #tpu.memory_space<vmem_shared>> -> memref<10240x64xf32, #tpu.memory_space<vmem_shared>>
        tpu.wait_indirect_dma semaphore(%run_scoped3A : memref<!tpu.dma_semaphore, #tpu.memory_space<semaphore_mem>>) src(%arg10 : memref<128x64xf32, #tpu.memory_space<vmem>>) dst(%dma_wait3A_109 : memref<10240x64xf32, #tpu.memory_space<vmem_shared>>)
        tpu.yield
      }) : () -> ()
    }
    %scan3A_50 = arith.constant 40 : i32
    %dma_wait3A_51 = arith.constant 80 : i32
    %dma_wait3A_52 = arith.constant 0 : i32
    %dma_wait3A_53 = tpu.memref_slice %arg7[%dma_wait3A_51, %dma_wait3A_52] : memref<81x128xi32, #tpu.memory_space<vmem>> -> memref<1x128xi32, #tpu.memory_space<vmem>>
    %dma_wait3A_54 = tpu.memref_squeeze %dma_wait3A_53 : memref<1x128xi32, #tpu.memory_space<vmem>> -> memref<128xi32, #tpu.memory_space<vmem>>
    %dma_wait3A_55 = arith.constant 0 : i32
    %dma_wait3A_56 = arith.constant 0 : i32
    %dma_wait3A_57 = tpu.memref_slice %arg11[%dma_wait3A_55, %dma_wait3A_56] : memref<10240x64xf32, #tpu.memory_space<vmem_shared>> -> memref<10240x64xf32, #tpu.memory_space<vmem_shared>>
    tpu.wait_indirect_dma semaphore(%arg13 : memref<!tpu.dma_semaphore, #tpu.memory_space<semaphore_mem>>) src(%dma_wait3A_57 : memref<10240x64xf32, #tpu.memory_space<vmem_shared>>) dst(%arg9 : memref<128x64xf32, #tpu.memory_space<vmem>>)
    %barrier3A_58 = arith.constant 0 : index
    tpu.barrier barrier_id(%barrier3A_58)
    %mul3A_59 = arith.constant 640 : i32
    %mul3A_60 = arith.muli %arg1, %mul3A_59 : i32
    %mul3A_61 = arith.constant 640 : i32
    %mul3A_62 = arith.muli %arg1, %mul3A_61 : i32
    "tpu.region"() ({
      %run_scoped3A = tpu.sem_alloc : memref<!tpu.dma_semaphore, #tpu.memory_space<semaphore_mem>>
      %dma_start3A_63 = arith.constant 0 : i32
      %dma_start3A_64 = tpu.memref_slice %arg6[%arg0, %mul3A_62, %dma_start3A_63] : memref<2x10240x64xf32, #tpu.memory_space<hbm>> -> memref<1x640x64xf32, #tpu.memory_space<hbm>>
      %dma_start3A_65 = tpu.memref_squeeze %dma_start3A_64 : memref<1x640x64xf32, #tpu.memory_space<hbm>> -> memref<640x64xf32, #tpu.memory_space<hbm>>
      %dma_start3A_66 = arith.constant 0 : i32
      %dma_start3A_67 = tpu.memref_slice %arg12[%mul3A_60, %dma_start3A_66] : memref<10240x64xf32, #tpu.memory_space<vmem_shared>> -> memref<640x64xf32, #tpu.memory_space<vmem_shared>>
      tpu.enqueue_dma source(%dma_start3A_67 : memref<640x64xf32, #tpu.memory_space<vmem_shared>>) target(%dma_start3A_65 : memref<640x64xf32, #tpu.memory_space<hbm>>) target_semaphore(%run_scoped3A : memref<!tpu.dma_semaphore, #tpu.memory_space<semaphore_mem>>)
      %dma_wait3A_68 = arith.constant 0 : i32
      %dma_wait3A_69 = tpu.memref_slice %arg6[%arg0, %mul3A_62, %dma_wait3A_68] : memref<2x10240x64xf32, #tpu.memory_space<hbm>> -> memref<1x640x64xf32, #tpu.memory_space<hbm>>
      %dma_wait3A_70 = tpu.memref_squeeze %dma_wait3A_69 : memref<1x640x64xf32, #tpu.memory_space<hbm>> -> memref<640x64xf32, #tpu.memory_space<hbm>>
      %dma_wait3A_71 = arith.constant 0 : i32
      %dma_wait3A_72 = tpu.memref_slice %arg12[%mul3A_60, %dma_wait3A_71] : memref<10240x64xf32, #tpu.memory_space<vmem_shared>> -> memref<640x64xf32, #tpu.memory_space<vmem_shared>>
      tpu.wait_dma2 semaphore(%run_scoped3A : memref<!tpu.dma_semaphore, #tpu.memory_space<semaphore_mem>>) src(%dma_wait3A_72 : memref<640x64xf32, #tpu.memory_space<vmem_shared>>) dst(%dma_wait3A_70 : memref<640x64xf32, #tpu.memory_space<hbm>>)
      tpu.yield
    }) : () -> ()
    return
  }
}

#map = affine_map<(d0, d1) -> (0, 0, 0)>
#map1 = affine_map<(d0, d1) -> (0, 0)>
module attributes {stable_mosaic.version = 14 : i64} {
  func.func @_deg_hist(%arg0: i32, %arg1: i32, %arg2: memref<32x81x128xi32, #tpu.memory_space<hbm>>, %arg3: memref<32x10240xf32, #tpu.memory_space<hbm>>, %arg4: memref<81x128xi32, #tpu.memory_space<vmem>>, %arg5: memref<10240xf32, #tpu.memory_space<vmem>>) attributes {dimension_semantics = [#tpu.dimension_semantics<core_parallel>, #tpu.dimension_semantics<subcore_parallel>], iteration_bounds = array<i64: 2, 16>, scalar_prefetch = 0 : i64, scratch_operands = 2 : i64, tpu.core_type = #tpu.core_type<sc_vector_subcore>, window_params = [{transform_indices = #map}, {transform_indices = #map1}]} {
    %mul3A = arith.constant 16 : i32
    %mul3A_0 = arith.muli %arg0, %mul3A : i32
    %add3A = arith.addi %mul3A_0, %arg1 : i32
    "tpu.region"() ({
      %run_scoped3A = tpu.sem_alloc : memref<!tpu.dma_semaphore, #tpu.memory_space<semaphore_mem>>
      %dma_start3A = arith.constant 0 : i32
      %dma_start3A_13 = arith.constant 0 : i32
      %dma_start3A_14 = tpu.memref_slice %arg2[%add3A, %dma_start3A, %dma_start3A_13] : memref<32x81x128xi32, #tpu.memory_space<hbm>> -> memref<1x81x128xi32, #tpu.memory_space<hbm>>
      %dma_start3A_15 = tpu.memref_squeeze %dma_start3A_14 : memref<1x81x128xi32, #tpu.memory_space<hbm>> -> memref<81x128xi32, #tpu.memory_space<hbm>>
      %dma_start3A_16 = arith.constant 0 : i32
      %dma_start3A_17 = arith.constant 0 : i32
      %dma_start3A_18 = tpu.memref_slice %arg2[%add3A, %dma_start3A_16, %dma_start3A_17] : memref<32x81x128xi32, #tpu.memory_space<hbm>> -> memref<1x81x128xi32, #tpu.memory_space<hbm>>
      %dma_start3A_19 = tpu.memref_squeeze %dma_start3A_18 : memref<1x81x128xi32, #tpu.memory_space<hbm>> -> memref<81x128xi32, #tpu.memory_space<hbm>>
      tpu.enqueue_dma source(%dma_start3A_19 : memref<81x128xi32, #tpu.memory_space<hbm>>) target(%arg4 : memref<81x128xi32, #tpu.memory_space<vmem>>) target_semaphore(%run_scoped3A : memref<!tpu.dma_semaphore, #tpu.memory_space<semaphore_mem>>)
      %dma_wait3A = arith.constant 0 : i32
      %dma_wait3A_20 = arith.constant 0 : i32
      %dma_wait3A_21 = tpu.memref_slice %arg2[%add3A, %dma_wait3A, %dma_wait3A_20] : memref<32x81x128xi32, #tpu.memory_space<hbm>> -> memref<1x81x128xi32, #tpu.memory_space<hbm>>
      %dma_wait3A_22 = tpu.memref_squeeze %dma_wait3A_21 : memref<1x81x128xi32, #tpu.memory_space<hbm>> -> memref<81x128xi32, #tpu.memory_space<hbm>>
      %dma_wait3A_23 = arith.constant 0 : i32
      %dma_wait3A_24 = arith.constant 0 : i32
      %dma_wait3A_25 = tpu.memref_slice %arg2[%add3A, %dma_wait3A_23, %dma_wait3A_24] : memref<32x81x128xi32, #tpu.memory_space<hbm>> -> memref<1x81x128xi32, #tpu.memory_space<hbm>>
      %dma_wait3A_26 = tpu.memref_squeeze %dma_wait3A_25 : memref<1x81x128xi32, #tpu.memory_space<hbm>> -> memref<81x128xi32, #tpu.memory_space<hbm>>
      tpu.wait_dma2 semaphore(%run_scoped3A : memref<!tpu.dma_semaphore, #tpu.memory_space<semaphore_mem>>) src(%dma_wait3A_26 : memref<81x128xi32, #tpu.memory_space<hbm>>) dst(%arg4 : memref<81x128xi32, #tpu.memory_space<vmem>>)
      tpu.yield
    }) : () -> ()
    %scan3A = arith.constant 0 : i32
    %scan3A_1 = arith.constant 0 : i32
    %scan3A_2 = arith.constant 640 : i32
    %scan3A_3 = arith.addi %scan3A_1, %scan3A_2 : i32
    %scan3A_4 = arith.constant 1 : i32
    scf.for %scan3A_13 = %scan3A_1 to %scan3A_3 step %scan3A_4  : i32 {
      %broadcast_in_dim3A_14 = arith.constant 0.000000e+00 : f32
      %broadcast_in_dim3A_15 = vector.broadcast %broadcast_in_dim3A_14 : f32 to vector<16xf32>
      %mul3A_16 = arith.constant 16 : i32
      %mul3A_17 = arith.muli %scan3A_13, %mul3A_16 : i32
      %swap3A = arith.index_cast %mul3A_17 : i32 to index
      %swap3A_18 = tpu.vector_load %arg5[%swap3A] {strides = array<i32>} : memref<10240xf32, #tpu.memory_space<vmem>>, vector<16xf32>,
      tpu.vector_store %arg5[%swap3A], %broadcast_in_dim3A_15 {strides = array<i32>} : memref<10240xf32, #tpu.memory_space<vmem>>, vector<16xf32>,
    }
    %scan3A_5 = arith.constant 640 : i32
    %broadcast_in_dim3A = arith.constant 1.000000e+00 : f32
    %broadcast_in_dim3A_6 = vector.broadcast %broadcast_in_dim3A : f32 to vector<16xf32>
    %scan3A_7 = arith.constant 0 : i32
    %scan3A_8 = arith.constant 0 : i32
    %scan3A_9 = arith.constant 80 : i32
    %scan3A_10 = arith.addi %scan3A_8, %scan3A_9 : i32
    %scan3A_11 = arith.constant 1 : i32
    scf.for %scan3A_13 = %scan3A_8 to %scan3A_10 step %scan3A_11  : i32 {
      %scan3A_14 = arith.constant 0 : i32
      %scan3A_15 = arith.constant 8 : i32
      %scan3A_16 = arith.addi %scan3A_14, %scan3A_15 : i32
      %scan3A_17 = arith.constant 1 : i32
      scf.for %scan3A_19 = %scan3A_14 to %scan3A_16 step %scan3A_17  : i32 {
        %mul3A_20 = arith.constant 16 : i32
        %mul3A_21 = arith.muli %scan3A_19, %mul3A_20 : i32
        %get3A = arith.index_cast %scan3A_13 : i32 to index
        %get3A_22 = arith.index_cast %mul3A_21 : i32 to index
        %get3A_23 = tpu.vector_load %arg4[%get3A, %get3A_22] {strides = array<i32>} : memref<81x128xi32, #tpu.memory_space<vmem>>, vector<16xi32>,
        tpu.vector_store_idx %arg5[%get3A_23], %broadcast_in_dim3A_6 {add = true} : memref<10240xf32, #tpu.memory_space<vmem>>[vector<16xi32>], vector<16xf32>,
      }
      %scan3A_18 = arith.constant 8 : i32
    }
    %scan3A_12 = arith.constant 80 : i32
    "tpu.region"() ({
      %run_scoped3A = tpu.sem_alloc : memref<!tpu.dma_semaphore, #tpu.memory_space<semaphore_mem>>
      %dma_start3A = arith.constant 0 : i32
      %dma_start3A_13 = tpu.memref_slice %arg3[%add3A, %dma_start3A] : memref<32x10240xf32, #tpu.memory_space<hbm>> -> memref<1x10240xf32, #tpu.memory_space<hbm>>
      %dma_start3A_14 = tpu.memref_squeeze %dma_start3A_13 : memref<1x10240xf32, #tpu.memory_space<hbm>> -> memref<10240xf32, #tpu.memory_space<hbm>>
      %dma_start3A_15 = arith.constant 0 : i32
      %dma_start3A_16 = tpu.memref_slice %arg3[%add3A, %dma_start3A_15] : memref<32x10240xf32, #tpu.memory_space<hbm>> -> memref<1x10240xf32, #tpu.memory_space<hbm>>
      %dma_start3A_17 = tpu.memref_squeeze %dma_start3A_16 : memref<1x10240xf32, #tpu.memory_space<hbm>> -> memref<10240xf32, #tpu.memory_space<hbm>>
      tpu.enqueue_dma source(%arg5 : memref<10240xf32, #tpu.memory_space<vmem>>) target(%dma_start3A_17 : memref<10240xf32, #tpu.memory_space<hbm>>) target_semaphore(%run_scoped3A : memref<!tpu.dma_semaphore, #tpu.memory_space<semaphore_mem>>)
      %dma_wait3A = arith.constant 0 : i32
      %dma_wait3A_18 = tpu.memref_slice %arg3[%add3A, %dma_wait3A] : memref<32x10240xf32, #tpu.memory_space<hbm>> -> memref<1x10240xf32, #tpu.memory_space<hbm>>
      %dma_wait3A_19 = tpu.memref_squeeze %dma_wait3A_18 : memref<1x10240xf32, #tpu.memory_space<hbm>> -> memref<10240xf32, #tpu.memory_space<hbm>>
      %dma_wait3A_20 = arith.constant 0 : i32
      %dma_wait3A_21 = tpu.memref_slice %arg3[%add3A, %dma_wait3A_20] : memref<32x10240xf32, #tpu.memory_space<hbm>> -> memref<1x10240xf32, #tpu.memory_space<hbm>>
      %dma_wait3A_22 = tpu.memref_squeeze %dma_wait3A_21 : memref<1x10240xf32, #tpu.memory_space<hbm>> -> memref<10240xf32, #tpu.memory_space<hbm>>
      tpu.wait_dma2 semaphore(%run_scoped3A : memref<!tpu.dma_semaphore, #tpu.memory_space<semaphore_mem>>) src(%arg5 : memref<10240xf32, #tpu.memory_space<vmem>>) dst(%dma_wait3A_22 : memref<10240xf32, #tpu.memory_space<hbm>>)
      tpu.yield
    }) : () -> ()
    return
  }
}

#map = affine_map<(d0, d1) -> (0, 0)>
#map1 = affine_map<(d0, d1) -> (0, 0, 0)>
module attributes {stable_mosaic.version = 14 : i64} {
  func.func @agg(%arg0: i32, %arg1: i32, %arg2: memref<10240x64xf32, #tpu.memory_space<hbm>>, %arg3: memref<32x81x128xi32, #tpu.memory_space<hbm>>, %arg4: memref<32x81x128xi32, #tpu.memory_space<hbm>>, %arg5: memref<10240x64xf32, #tpu.memory_space<hbm>>, %arg6: memref<2x10240x64xf32, #tpu.memory_space<hbm>>, %arg7: memref<81x128xi32, #tpu.memory_space<vmem>>, %arg8: memref<81x128xi32, #tpu.memory_space<vmem>>, %arg9: memref<128x64xf32, #tpu.memory_space<vmem>>, %arg10: memref<128x64xf32, #tpu.memory_space<vmem>>, %arg11: memref<10240x64xf32, #tpu.memory_space<vmem_shared>>, %arg12: memref<10240x64xf32, #tpu.memory_space<vmem_shared>>, %arg13: memref<!tpu.dma_semaphore, #tpu.memory_space<semaphore_mem>>, %arg14: memref<!tpu.dma_semaphore, #tpu.memory_space<semaphore_mem>>) attributes {dimension_semantics = [#tpu.dimension_semantics<core_parallel>, #tpu.dimension_semantics<subcore_parallel>], iteration_bounds = array<i64: 2, 16>, scalar_prefetch = 0 : i64, scratch_operands = 8 : i64, tpu.core_type = #tpu.core_type<sc_vector_subcore>, window_params = [{transform_indices = #map}, {transform_indices = #map1}, {transform_indices = #map1}, {transform_indices = #map}, {transform_indices = #map1}]} {
    %mul3A = arith.constant 16 : i32
    %mul3A_0 = arith.muli %arg0, %mul3A : i32
    %add3A = arith.addi %mul3A_0, %arg1 : i32
    %dma_start3A = arith.constant 0 : i32
    %dma_start3A_1 = arith.constant 0 : i32
    %dma_start3A_2 = tpu.memref_slice %arg3[%add3A, %dma_start3A, %dma_start3A_1] : memref<32x81x128xi32, #tpu.memory_space<hbm>> -> memref<1x81x128xi32, #tpu.memory_space<hbm>>
    %dma_start3A_3 = tpu.memref_squeeze %dma_start3A_2 : memref<1x81x128xi32, #tpu.memory_space<hbm>> -> memref<81x128xi32, #tpu.memory_space<hbm>>
    %dma_start3A_4 = arith.constant 0 : i32
    %dma_start3A_5 = arith.constant 0 : i32
    %dma_start3A_6 = tpu.memref_slice %arg3[%add3A, %dma_start3A_4, %dma_start3A_5] : memref<32x81x128xi32, #tpu.memory_space<hbm>> -> memref<1x81x128xi32, #tpu.memory_space<hbm>>
    %dma_start3A_7 = tpu.memref_squeeze %dma_start3A_6 : memref<1x81x128xi32, #tpu.memory_space<hbm>> -> memref<81x128xi32, #tpu.memory_space<hbm>>
    tpu.enqueue_dma source(%dma_start3A_7 : memref<81x128xi32, #tpu.memory_space<hbm>>) target(%arg7 : memref<81x128xi32, #tpu.memory_space<vmem>>) target_semaphore(%arg13 : memref<!tpu.dma_semaphore, #tpu.memory_space<semaphore_mem>>)
    %dma_start3A_8 = arith.constant 0 : i32
    %dma_start3A_9 = arith.constant 0 : i32
    %dma_start3A_10 = tpu.memref_slice %arg4[%add3A, %dma_start3A_8, %dma_start3A_9] : memref<32x81x128xi32, #tpu.memory_space<hbm>> -> memref<1x81x128xi32, #tpu.memory_space<hbm>>
    %dma_start3A_11 = tpu.memref_squeeze %dma_start3A_10 : memref<1x81x128xi32, #tpu.memory_space<hbm>> -> memref<81x128xi32, #tpu.memory_space<hbm>>
    %dma_start3A_12 = arith.constant 0 : i32
    %dma_start3A_13 = arith.constant 0 : i32
    %dma_start3A_14 = tpu.memref_slice %arg4[%add3A, %dma_start3A_12, %dma_start3A_13] : memref<32x81x128xi32, #tpu.memory_space<hbm>> -> memref<1x81x128xi32, #tpu.memory_space<hbm>>
    %dma_start3A_15 = tpu.memref_squeeze %dma_start3A_14 : memref<1x81x128xi32, #tpu.memory_space<hbm>> -> memref<81x128xi32, #tpu.memory_space<hbm>>
    tpu.enqueue_dma source(%dma_start3A_15 : memref<81x128xi32, #tpu.memory_space<hbm>>) target(%arg8 : memref<81x128xi32, #tpu.memory_space<vmem>>) target_semaphore(%arg14 : memref<!tpu.dma_semaphore, #tpu.memory_space<semaphore_mem>>)
    %mul3A_16 = arith.constant 640 : i32
    %mul3A_17 = arith.muli %arg1, %mul3A_16 : i32
    %mul3A_18 = arith.constant 640 : i32
    %mul3A_19 = arith.muli %arg1, %mul3A_18 : i32
    "tpu.region"() ({
      %run_scoped3A = tpu.sem_alloc : memref<!tpu.dma_semaphore, #tpu.memory_space<semaphore_mem>>
      %dma_start3A_63 = arith.constant 0 : i32
      %dma_start3A_64 = tpu.memref_slice %arg11[%mul3A_19, %dma_start3A_63] : memref<10240x64xf32, #tpu.memory_space<vmem_shared>> -> memref<640x64xf32, #tpu.memory_space<vmem_shared>>
      %dma_start3A_65 = arith.constant 0 : i32
      %dma_start3A_66 = tpu.memref_slice %arg2[%mul3A_17, %dma_start3A_65] : memref<10240x64xf32, #tpu.memory_space<hbm>> -> memref<640x64xf32, #tpu.memory_space<hbm>>
      tpu.enqueue_dma source(%dma_start3A_66 : memref<640x64xf32, #tpu.memory_space<hbm>>) target(%dma_start3A_64 : memref<640x64xf32, #tpu.memory_space<vmem_shared>>) target_semaphore(%run_scoped3A : memref<!tpu.dma_semaphore, #tpu.memory_space<semaphore_mem>>)
      %dma_wait3A_67 = arith.constant 0 : i32
      %dma_wait3A_68 = tpu.memref_slice %arg11[%mul3A_19, %dma_wait3A_67] : memref<10240x64xf32, #tpu.memory_space<vmem_shared>> -> memref<640x64xf32, #tpu.memory_space<vmem_shared>>
      %dma_wait3A_69 = arith.constant 0 : i32
      %dma_wait3A_70 = tpu.memref_slice %arg2[%mul3A_17, %dma_wait3A_69] : memref<10240x64xf32, #tpu.memory_space<hbm>> -> memref<640x64xf32, #tpu.memory_space<hbm>>
      tpu.wait_dma2 semaphore(%run_scoped3A : memref<!tpu.dma_semaphore, #tpu.memory_space<semaphore_mem>>) src(%dma_wait3A_70 : memref<640x64xf32, #tpu.memory_space<hbm>>) dst(%dma_wait3A_68 : memref<640x64xf32, #tpu.memory_space<vmem_shared>>)
      tpu.yield
    }) : () -> ()
    %mul3A_20 = arith.constant 640 : i32
    %mul3A_21 = arith.muli %arg1, %mul3A_20 : i32
    %mul3A_22 = arith.constant 640 : i32
    %mul3A_23 = arith.muli %arg1, %mul3A_22 : i32
    "tpu.region"() ({
      %run_scoped3A = tpu.sem_alloc : memref<!tpu.dma_semaphore, #tpu.memory_space<semaphore_mem>>
      %dma_start3A_63 = arith.constant 0 : i32
      %dma_start3A_64 = tpu.memref_slice %arg12[%mul3A_23, %dma_start3A_63] : memref<10240x64xf32, #tpu.memory_space<vmem_shared>> -> memref<640x64xf32, #tpu.memory_space<vmem_shared>>
      %dma_start3A_65 = arith.constant 0 : i32
      %dma_start3A_66 = tpu.memref_slice %arg5[%mul3A_21, %dma_start3A_65] : memref<10240x64xf32, #tpu.memory_space<hbm>> -> memref<640x64xf32, #tpu.memory_space<hbm>>
      tpu.enqueue_dma source(%dma_start3A_66 : memref<640x64xf32, #tpu.memory_space<hbm>>) target(%dma_start3A_64 : memref<640x64xf32, #tpu.memory_space<vmem_shared>>) target_semaphore(%run_scoped3A : memref<!tpu.dma_semaphore, #tpu.memory_space<semaphore_mem>>)
      %dma_wait3A_67 = arith.constant 0 : i32
      %dma_wait3A_68 = tpu.memref_slice %arg12[%mul3A_23, %dma_wait3A_67] : memref<10240x64xf32, #tpu.memory_space<vmem_shared>> -> memref<640x64xf32, #tpu.memory_space<vmem_shared>>
      %dma_wait3A_69 = arith.constant 0 : i32
      %dma_wait3A_70 = tpu.memref_slice %arg5[%mul3A_21, %dma_wait3A_69] : memref<10240x64xf32, #tpu.memory_space<hbm>> -> memref<640x64xf32, #tpu.memory_space<hbm>>
      tpu.wait_dma2 semaphore(%run_scoped3A : memref<!tpu.dma_semaphore, #tpu.memory_space<semaphore_mem>>) src(%dma_wait3A_70 : memref<640x64xf32, #tpu.memory_space<hbm>>) dst(%dma_wait3A_68 : memref<640x64xf32, #tpu.memory_space<vmem_shared>>)
      tpu.yield
    }) : () -> ()
    %dma_wait3A = arith.constant 0 : i32
    %dma_wait3A_24 = arith.constant 0 : i32
    %dma_wait3A_25 = tpu.memref_slice %arg3[%add3A, %dma_wait3A, %dma_wait3A_24] : memref<32x81x128xi32, #tpu.memory_space<hbm>> -> memref<1x81x128xi32, #tpu.memory_space<hbm>>
    %dma_wait3A_26 = tpu.memref_squeeze %dma_wait3A_25 : memref<1x81x128xi32, #tpu.memory_space<hbm>> -> memref<81x128xi32, #tpu.memory_space<hbm>>
    %dma_wait3A_27 = arith.constant 0 : i32
    %dma_wait3A_28 = arith.constant 0 : i32
    %dma_wait3A_29 = tpu.memref_slice %arg3[%add3A, %dma_wait3A_27, %dma_wait3A_28] : memref<32x81x128xi32, #tpu.memory_space<hbm>> -> memref<1x81x128xi32, #tpu.memory_space<hbm>>
    %dma_wait3A_30 = tpu.memref_squeeze %dma_wait3A_29 : memref<1x81x128xi32, #tpu.memory_space<hbm>> -> memref<81x128xi32, #tpu.memory_space<hbm>>
    tpu.wait_dma2 semaphore(%arg13 : memref<!tpu.dma_semaphore, #tpu.memory_space<semaphore_mem>>) src(%dma_wait3A_30 : memref<81x128xi32, #tpu.memory_space<hbm>>) dst(%arg7 : memref<81x128xi32, #tpu.memory_space<vmem>>)
    %dma_wait3A_31 = arith.constant 0 : i32
    %dma_wait3A_32 = arith.constant 0 : i32
    %dma_wait3A_33 = tpu.memref_slice %arg4[%add3A, %dma_wait3A_31, %dma_wait3A_32] : memref<32x81x128xi32, #tpu.memory_space<hbm>> -> memref<1x81x128xi32, #tpu.memory_space<hbm>>
    %dma_wait3A_34 = tpu.memref_squeeze %dma_wait3A_33 : memref<1x81x128xi32, #tpu.memory_space<hbm>> -> memref<81x128xi32, #tpu.memory_space<hbm>>
    %dma_wait3A_35 = arith.constant 0 : i32
    %dma_wait3A_36 = arith.constant 0 : i32
    %dma_wait3A_37 = tpu.memref_slice %arg4[%add3A, %dma_wait3A_35, %dma_wait3A_36] : memref<32x81x128xi32, #tpu.memory_space<hbm>> -> memref<1x81x128xi32, #tpu.memory_space<hbm>>
    %dma_wait3A_38 = tpu.memref_squeeze %dma_wait3A_37 : memref<1x81x128xi32, #tpu.memory_space<hbm>> -> memref<81x128xi32, #tpu.memory_space<hbm>>
    tpu.wait_dma2 semaphore(%arg14 : memref<!tpu.dma_semaphore, #tpu.memory_space<semaphore_mem>>) src(%dma_wait3A_38 : memref<81x128xi32, #tpu.memory_space<hbm>>) dst(%arg8 : memref<81x128xi32, #tpu.memory_space<vmem>>)
    %barrier3A = arith.constant 0 : index
    tpu.barrier barrier_id(%barrier3A)
    %dma_start3A_39 = arith.constant 0 : i32
    %dma_start3A_40 = arith.constant 0 : i32
    %dma_start3A_41 = tpu.memref_slice %arg7[%dma_start3A_39, %dma_start3A_40] : memref<81x128xi32, #tpu.memory_space<vmem>> -> memref<1x128xi32, #tpu.memory_space<vmem>>
    %dma_start3A_42 = tpu.memref_squeeze %dma_start3A_41 : memref<1x128xi32, #tpu.memory_space<vmem>> -> memref<128xi32, #tpu.memory_space<vmem>>
    %dma_start3A_43 = arith.constant 0 : i32
    %dma_start3A_44 = arith.constant 0 : i32
    %dma_start3A_45 = tpu.memref_slice %arg11[%dma_start3A_43, %dma_start3A_44] : memref<10240x64xf32, #tpu.memory_space<vmem_shared>> -> memref<10240x64xf32, #tpu.memory_space<vmem_shared>>
    tpu.enqueue_indirect_dma source(%dma_start3A_45 : memref<10240x64xf32, #tpu.memory_space<vmem_shared>>) target(%arg9 : memref<128x64xf32, #tpu.memory_space<vmem>>) offsets(%dma_start3A_42 : memref<128xi32, #tpu.memory_space<vmem>>) semaphore(%arg13 : memref<!tpu.dma_semaphore, #tpu.memory_space<semaphore_mem>>)
    %scan3A = arith.constant 0 : i32
    %scan3A_46 = arith.constant 0 : i32
    %scan3A_47 = arith.constant 40 : i32
    %scan3A_48 = arith.addi %scan3A_46, %scan3A_47 : i32
    %scan3A_49 = arith.constant 1 : i32
    scf.for %scan3A_63 = %scan3A_46 to %scan3A_48 step %scan3A_49  : i32 {
      %mul3A_64 = arith.constant 2 : i32
      %mul3A_65 = arith.muli %mul3A_64, %scan3A_63 : i32
      %add3A_66 = arith.constant 1 : i32
      %add3A_67 = arith.addi %mul3A_65, %add3A_66 : i32
      %dma_start3A_68 = arith.constant 0 : i32
      %dma_start3A_69 = tpu.memref_slice %arg7[%add3A_67, %dma_start3A_68] : memref<81x128xi32, #tpu.memory_space<vmem>> -> memref<1x128xi32, #tpu.memory_space<vmem>>
      %dma_start3A_70 = tpu.memref_squeeze %dma_start3A_69 : memref<1x128xi32, #tpu.memory_space<vmem>> -> memref<128xi32, #tpu.memory_space<vmem>>
      %dma_start3A_71 = arith.constant 0 : i32
      %dma_start3A_72 = arith.constant 0 : i32
      %dma_start3A_73 = tpu.memref_slice %arg11[%dma_start3A_71, %dma_start3A_72] : memref<10240x64xf32, #tpu.memory_space<vmem_shared>> -> memref<10240x64xf32, #tpu.memory_space<vmem_shared>>
      tpu.enqueue_indirect_dma source(%dma_start3A_73 : memref<10240x64xf32, #tpu.memory_space<vmem_shared>>) target(%arg10 : memref<128x64xf32, #tpu.memory_space<vmem>>) offsets(%dma_start3A_70 : memref<128xi32, #tpu.memory_space<vmem>>) semaphore(%arg14 : memref<!tpu.dma_semaphore, #tpu.memory_space<semaphore_mem>>)
      %dma_wait3A_74 = arith.constant 0 : i32
      %dma_wait3A_75 = tpu.memref_slice %arg7[%mul3A_65, %dma_wait3A_74] : memref<81x128xi32, #tpu.memory_space<vmem>> -> memref<1x128xi32, #tpu.memory_space<vmem>>
      %dma_wait3A_76 = tpu.memref_squeeze %dma_wait3A_75 : memref<1x128xi32, #tpu.memory_space<vmem>> -> memref<128xi32, #tpu.memory_space<vmem>>
      %dma_wait3A_77 = arith.constant 0 : i32
      %dma_wait3A_78 = arith.constant 0 : i32
      %dma_wait3A_79 = tpu.memref_slice %arg11[%dma_wait3A_77, %dma_wait3A_78] : memref<10240x64xf32, #tpu.memory_space<vmem_shared>> -> memref<10240x64xf32, #tpu.memory_space<vmem_shared>>
      tpu.wait_indirect_dma semaphore(%arg13 : memref<!tpu.dma_semaphore, #tpu.memory_space<semaphore_mem>>) src(%dma_wait3A_79 : memref<10240x64xf32, #tpu.memory_space<vmem_shared>>) dst(%arg9 : memref<128x64xf32, #tpu.memory_space<vmem>>)
      "tpu.region"() ({
        %run_scoped3A = tpu.sem_alloc : memref<!tpu.dma_semaphore, #tpu.memory_space<semaphore_mem>>
        %dma_start3A_98 = arith.constant 0 : i32
        %dma_start3A_99 = tpu.memref_slice %arg8[%mul3A_65, %dma_start3A_98] : memref<81x128xi32, #tpu.memory_space<vmem>> -> memref<1x128xi32, #tpu.memory_space<vmem>>
        %dma_start3A_100 = tpu.memref_squeeze %dma_start3A_99 : memref<1x128xi32, #tpu.memory_space<vmem>> -> memref<128xi32, #tpu.memory_space<vmem>>
        %dma_start3A_101 = arith.constant 0 : i32
        %dma_start3A_102 = arith.constant 0 : i32
        %dma_start3A_103 = tpu.memref_slice %arg12[%dma_start3A_101, %dma_start3A_102] : memref<10240x64xf32, #tpu.memory_space<vmem_shared>> -> memref<10240x64xf32, #tpu.memory_space<vmem_shared>>
        tpu.enqueue_indirect_dma source(%arg9 : memref<128x64xf32, #tpu.memory_space<vmem>>) target(%dma_start3A_103 : memref<10240x64xf32, #tpu.memory_space<vmem_shared>>) offsets(%dma_start3A_100 : memref<128xi32, #tpu.memory_space<vmem>>) semaphore(%run_scoped3A : memref<!tpu.dma_semaphore, #tpu.memory_space<semaphore_mem>>) {add = true}
        %dma_wait3A_104 = arith.constant 0 : i32
        %dma_wait3A_105 = tpu.memref_slice %arg8[%mul3A_65, %dma_wait3A_104] : memref<81x128xi32, #tpu.memory_space<vmem>> -> memref<1x128xi32, #tpu.memory_space<vmem>>
        %dma_wait3A_106 = tpu.memref_squeeze %dma_wait3A_105 : memref<1x128xi32, #tpu.memory_space<vmem>> -> memref<128xi32, #tpu.memory_space<vmem>>
        %dma_wait3A_107 = arith.constant 0 : i32
        %dma_wait3A_108 = arith.constant 0 : i32
        %dma_wait3A_109 = tpu.memref_slice %arg12[%dma_wait3A_107, %dma_wait3A_108] : memref<10240x64xf32, #tpu.memory_space<vmem_shared>> -> memref<10240x64xf32, #tpu.memory_space<vmem_shared>>
        tpu.wait_indirect_dma semaphore(%run_scoped3A : memref<!tpu.dma_semaphore, #tpu.memory_space<semaphore_mem>>) src(%arg9 : memref<128x64xf32, #tpu.memory_space<vmem>>) dst(%dma_wait3A_109 : memref<10240x64xf32, #tpu.memory_space<vmem_shared>>)
        tpu.yield
      }) : () -> ()
      %add3A_80 = arith.constant 2 : i32
      %add3A_81 = arith.addi %mul3A_65, %add3A_80 : i32
      %dma_start3A_82 = arith.constant 0 : i32
      %dma_start3A_83 = tpu.memref_slice %arg7[%add3A_81, %dma_start3A_82] : memref<81x128xi32, #tpu.memory_space<vmem>> -> memref<1x128xi32, #tpu.memory_space<vmem>>
      %dma_start3A_84 = tpu.memref_squeeze %dma_start3A_83 : memref<1x128xi32, #tpu.memory_space<vmem>> -> memref<128xi32, #tpu.memory_space<vmem>>
      %dma_start3A_85 = arith.constant 0 : i32
      %dma_start3A_86 = arith.constant 0 : i32
      %dma_start3A_87 = tpu.memref_slice %arg11[%dma_start3A_85, %dma_start3A_86] : memref<10240x64xf32, #tpu.memory_space<vmem_shared>> -> memref<10240x64xf32, #tpu.memory_space<vmem_shared>>
      tpu.enqueue_indirect_dma source(%dma_start3A_87 : memref<10240x64xf32, #tpu.memory_space<vmem_shared>>) target(%arg9 : memref<128x64xf32, #tpu.memory_space<vmem>>) offsets(%dma_start3A_84 : memref<128xi32, #tpu.memory_space<vmem>>) semaphore(%arg13 : memref<!tpu.dma_semaphore, #tpu.memory_space<semaphore_mem>>)
      %add3A_88 = arith.constant 1 : i32
      %add3A_89 = arith.addi %mul3A_65, %add3A_88 : i32
      %dma_wait3A_90 = arith.constant 0 : i32
      %dma_wait3A_91 = tpu.memref_slice %arg7[%add3A_89, %dma_wait3A_90] : memref<81x128xi32, #tpu.memory_space<vmem>> -> memref<1x128xi32, #tpu.memory_space<vmem>>
      %dma_wait3A_92 = tpu.memref_squeeze %dma_wait3A_91 : memref<1x128xi32, #tpu.memory_space<vmem>> -> memref<128xi32, #tpu.memory_space<vmem>>
      %dma_wait3A_93 = arith.constant 0 : i32
      %dma_wait3A_94 = arith.constant 0 : i32
      %dma_wait3A_95 = tpu.memref_slice %arg11[%dma_wait3A_93, %dma_wait3A_94] : memref<10240x64xf32, #tpu.memory_space<vmem_shared>> -> memref<10240x64xf32, #tpu.memory_space<vmem_shared>>
      tpu.wait_indirect_dma semaphore(%arg14 : memref<!tpu.dma_semaphore, #tpu.memory_space<semaphore_mem>>) src(%dma_wait3A_95 : memref<10240x64xf32, #tpu.memory_space<vmem_shared>>) dst(%arg10 : memref<128x64xf32, #tpu.memory_space<vmem>>)
      %add3A_96 = arith.constant 1 : i32
      %add3A_97 = arith.addi %mul3A_65, %add3A_96 : i32
      "tpu.region"() ({
        %run_scoped3A = tpu.sem_alloc : memref<!tpu.dma_semaphore, #tpu.memory_space<semaphore_mem>>
        %dma_start3A_98 = arith.constant 0 : i32
        %dma_start3A_99 = tpu.memref_slice %arg8[%add3A_97, %dma_start3A_98] : memref<81x128xi32, #tpu.memory_space<vmem>> -> memref<1x128xi32, #tpu.memory_space<vmem>>
        %dma_start3A_100 = tpu.memref_squeeze %dma_start3A_99 : memref<1x128xi32, #tpu.memory_space<vmem>> -> memref<128xi32, #tpu.memory_space<vmem>>
        %dma_start3A_101 = arith.constant 0 : i32
        %dma_start3A_102 = arith.constant 0 : i32
        %dma_start3A_103 = tpu.memref_slice %arg12[%dma_start3A_101, %dma_start3A_102] : memref<10240x64xf32, #tpu.memory_space<vmem_shared>> -> memref<10240x64xf32, #tpu.memory_space<vmem_shared>>
        tpu.enqueue_indirect_dma source(%arg10 : memref<128x64xf32, #tpu.memory_space<vmem>>) target(%dma_start3A_103 : memref<10240x64xf32, #tpu.memory_space<vmem_shared>>) offsets(%dma_start3A_100 : memref<128xi32, #tpu.memory_space<vmem>>) semaphore(%run_scoped3A : memref<!tpu.dma_semaphore, #tpu.memory_space<semaphore_mem>>) {add = true}
        %dma_wait3A_104 = arith.constant 0 : i32
        %dma_wait3A_105 = tpu.memref_slice %arg8[%add3A_97, %dma_wait3A_104] : memref<81x128xi32, #tpu.memory_space<vmem>> -> memref<1x128xi32, #tpu.memory_space<vmem>>
        %dma_wait3A_106 = tpu.memref_squeeze %dma_wait3A_105 : memref<1x128xi32, #tpu.memory_space<vmem>> -> memref<128xi32, #tpu.memory_space<vmem>>
        %dma_wait3A_107 = arith.constant 0 : i32
        %dma_wait3A_108 = arith.constant 0 : i32
        %dma_wait3A_109 = tpu.memref_slice %arg12[%dma_wait3A_107, %dma_wait3A_108] : memref<10240x64xf32, #tpu.memory_space<vmem_shared>> -> memref<10240x64xf32, #tpu.memory_space<vmem_shared>>
        tpu.wait_indirect_dma semaphore(%run_scoped3A : memref<!tpu.dma_semaphore, #tpu.memory_space<semaphore_mem>>) src(%arg10 : memref<128x64xf32, #tpu.memory_space<vmem>>) dst(%dma_wait3A_109 : memref<10240x64xf32, #tpu.memory_space<vmem_shared>>)
        tpu.yield
      }) : () -> ()
    }
    %scan3A_50 = arith.constant 40 : i32
    %dma_wait3A_51 = arith.constant 80 : i32
    %dma_wait3A_52 = arith.constant 0 : i32
    %dma_wait3A_53 = tpu.memref_slice %arg7[%dma_wait3A_51, %dma_wait3A_52] : memref<81x128xi32, #tpu.memory_space<vmem>> -> memref<1x128xi32, #tpu.memory_space<vmem>>
    %dma_wait3A_54 = tpu.memref_squeeze %dma_wait3A_53 : memref<1x128xi32, #tpu.memory_space<vmem>> -> memref<128xi32, #tpu.memory_space<vmem>>
    %dma_wait3A_55 = arith.constant 0 : i32
    %dma_wait3A_56 = arith.constant 0 : i32
    %dma_wait3A_57 = tpu.memref_slice %arg11[%dma_wait3A_55, %dma_wait3A_56] : memref<10240x64xf32, #tpu.memory_space<vmem_shared>> -> memref<10240x64xf32, #tpu.memory_space<vmem_shared>>
    tpu.wait_indirect_dma semaphore(%arg13 : memref<!tpu.dma_semaphore, #tpu.memory_space<semaphore_mem>>) src(%dma_wait3A_57 : memref<10240x64xf32, #tpu.memory_space<vmem_shared>>) dst(%arg9 : memref<128x64xf32, #tpu.memory_space<vmem>>)
    %barrier3A_58 = arith.constant 0 : index
    tpu.barrier barrier_id(%barrier3A_58)
    %mul3A_59 = arith.constant 640 : i32
    %mul3A_60 = arith.muli %arg1, %mul3A_59 : i32
    %mul3A_61 = arith.constant 640 : i32
    %mul3A_62 = arith.muli %arg1, %mul3A_61 : i32
    "tpu.region"() ({
      %run_scoped3A = tpu.sem_alloc : memref<!tpu.dma_semaphore, #tpu.memory_space<semaphore_mem>>
      %dma_start3A_63 = arith.constant 0 : i32
      %dma_start3A_64 = tpu.memref_slice %arg6[%arg0, %mul3A_62, %dma_start3A_63] : memref<2x10240x64xf32, #tpu.memory_space<hbm>> -> memref<1x640x64xf32, #tpu.memory_space<hbm>>
      %dma_start3A_65 = tpu.memref_squeeze %dma_start3A_64 : memref<1x640x64xf32, #tpu.memory_space<hbm>> -> memref<640x64xf32, #tpu.memory_space<hbm>>
      %dma_start3A_66 = arith.constant 0 : i32
      %dma_start3A_67 = tpu.memref_slice %arg12[%mul3A_60, %dma_start3A_66] : memref<10240x64xf32, #tpu.memory_space<vmem_shared>> -> memref<640x64xf32, #tpu.memory_space<vmem_shared>>
      tpu.enqueue_dma source(%dma_start3A_67 : memref<640x64xf32, #tpu.memory_space<vmem_shared>>) target(%dma_start3A_65 : memref<640x64xf32, #tpu.memory_space<hbm>>) target_semaphore(%run_scoped3A : memref<!tpu.dma_semaphore, #tpu.memory_space<semaphore_mem>>)
      %dma_wait3A_68 = arith.constant 0 : i32
      %dma_wait3A_69 = tpu.memref_slice %arg6[%arg0, %mul3A_62, %dma_wait3A_68] : memref<2x10240x64xf32, #tpu.memory_space<hbm>> -> memref<1x640x64xf32, #tpu.memory_space<hbm>>
      %dma_wait3A_70 = tpu.memref_squeeze %dma_wait3A_69 : memref<1x640x64xf32, #tpu.memory_space<hbm>> -> memref<640x64xf32, #tpu.memory_space<hbm>>
      %dma_wait3A_71 = arith.constant 0 : i32
      %dma_wait3A_72 = tpu.memref_slice %arg12[%mul3A_60, %dma_wait3A_71] : memref<10240x64xf32, #tpu.memory_space<vmem_shared>> -> memref<640x64xf32, #tpu.memory_space<vmem_shared>>
      tpu.wait_dma2 semaphore(%run_scoped3A : memref<!tpu.dma_semaphore, #tpu.memory_space<semaphore_mem>>) src(%dma_wait3A_72 : memref<640x64xf32, #tpu.memory_space<vmem_shared>>) dst(%dma_wait3A_70 : memref<640x64xf32, #tpu.memory_space<hbm>>)
      tpu.yield
    }) : () -> ()
    return
  }
}

#map = affine_map<(d0, d1) -> (0, 0)>
#map1 = affine_map<(d0, d1) -> (0, 0, 0)>
module attributes {stable_mosaic.version = 14 : i64} {
  func.func @agg(%arg0: i32, %arg1: i32, %arg2: memref<10240x32xf32, #tpu.memory_space<hbm>>, %arg3: memref<32x81x128xi32, #tpu.memory_space<hbm>>, %arg4: memref<32x81x128xi32, #tpu.memory_space<hbm>>, %arg5: memref<10240x32xf32, #tpu.memory_space<hbm>>, %arg6: memref<2x10240x32xf32, #tpu.memory_space<hbm>>, %arg7: memref<81x128xi32, #tpu.memory_space<vmem>>, %arg8: memref<81x128xi32, #tpu.memory_space<vmem>>, %arg9: memref<128x32xf32, #tpu.memory_space<vmem>>, %arg10: memref<128x32xf32, #tpu.memory_space<vmem>>, %arg11: memref<10240x32xf32, #tpu.memory_space<vmem_shared>>, %arg12: memref<10240x32xf32, #tpu.memory_space<vmem_shared>>, %arg13: memref<!tpu.dma_semaphore, #tpu.memory_space<semaphore_mem>>, %arg14: memref<!tpu.dma_semaphore, #tpu.memory_space<semaphore_mem>>) attributes {dimension_semantics = [#tpu.dimension_semantics<core_parallel>, #tpu.dimension_semantics<subcore_parallel>], iteration_bounds = array<i64: 2, 16>, scalar_prefetch = 0 : i64, scratch_operands = 8 : i64, tpu.core_type = #tpu.core_type<sc_vector_subcore>, window_params = [{transform_indices = #map}, {transform_indices = #map1}, {transform_indices = #map1}, {transform_indices = #map}, {transform_indices = #map1}]} {
    %mul3A = arith.constant 16 : i32
    %mul3A_0 = arith.muli %arg0, %mul3A : i32
    %add3A = arith.addi %mul3A_0, %arg1 : i32
    %dma_start3A = arith.constant 0 : i32
    %dma_start3A_1 = arith.constant 0 : i32
    %dma_start3A_2 = tpu.memref_slice %arg3[%add3A, %dma_start3A, %dma_start3A_1] : memref<32x81x128xi32, #tpu.memory_space<hbm>> -> memref<1x81x128xi32, #tpu.memory_space<hbm>>
    %dma_start3A_3 = tpu.memref_squeeze %dma_start3A_2 : memref<1x81x128xi32, #tpu.memory_space<hbm>> -> memref<81x128xi32, #tpu.memory_space<hbm>>
    %dma_start3A_4 = arith.constant 0 : i32
    %dma_start3A_5 = arith.constant 0 : i32
    %dma_start3A_6 = tpu.memref_slice %arg3[%add3A, %dma_start3A_4, %dma_start3A_5] : memref<32x81x128xi32, #tpu.memory_space<hbm>> -> memref<1x81x128xi32, #tpu.memory_space<hbm>>
    %dma_start3A_7 = tpu.memref_squeeze %dma_start3A_6 : memref<1x81x128xi32, #tpu.memory_space<hbm>> -> memref<81x128xi32, #tpu.memory_space<hbm>>
    tpu.enqueue_dma source(%dma_start3A_7 : memref<81x128xi32, #tpu.memory_space<hbm>>) target(%arg7 : memref<81x128xi32, #tpu.memory_space<vmem>>) target_semaphore(%arg13 : memref<!tpu.dma_semaphore, #tpu.memory_space<semaphore_mem>>)
    %dma_start3A_8 = arith.constant 0 : i32
    %dma_start3A_9 = arith.constant 0 : i32
    %dma_start3A_10 = tpu.memref_slice %arg4[%add3A, %dma_start3A_8, %dma_start3A_9] : memref<32x81x128xi32, #tpu.memory_space<hbm>> -> memref<1x81x128xi32, #tpu.memory_space<hbm>>
    %dma_start3A_11 = tpu.memref_squeeze %dma_start3A_10 : memref<1x81x128xi32, #tpu.memory_space<hbm>> -> memref<81x128xi32, #tpu.memory_space<hbm>>
    %dma_start3A_12 = arith.constant 0 : i32
    %dma_start3A_13 = arith.constant 0 : i32
    %dma_start3A_14 = tpu.memref_slice %arg4[%add3A, %dma_start3A_12, %dma_start3A_13] : memref<32x81x128xi32, #tpu.memory_space<hbm>> -> memref<1x81x128xi32, #tpu.memory_space<hbm>>
    %dma_start3A_15 = tpu.memref_squeeze %dma_start3A_14 : memref<1x81x128xi32, #tpu.memory_space<hbm>> -> memref<81x128xi32, #tpu.memory_space<hbm>>
    tpu.enqueue_dma source(%dma_start3A_15 : memref<81x128xi32, #tpu.memory_space<hbm>>) target(%arg8 : memref<81x128xi32, #tpu.memory_space<vmem>>) target_semaphore(%arg14 : memref<!tpu.dma_semaphore, #tpu.memory_space<semaphore_mem>>)
    %mul3A_16 = arith.constant 640 : i32
    %mul3A_17 = arith.muli %arg1, %mul3A_16 : i32
    %mul3A_18 = arith.constant 640 : i32
    %mul3A_19 = arith.muli %arg1, %mul3A_18 : i32
    "tpu.region"() ({
      %run_scoped3A = tpu.sem_alloc : memref<!tpu.dma_semaphore, #tpu.memory_space<semaphore_mem>>
      %dma_start3A_63 = arith.constant 0 : i32
      %dma_start3A_64 = tpu.memref_slice %arg11[%mul3A_19, %dma_start3A_63] : memref<10240x32xf32, #tpu.memory_space<vmem_shared>> -> memref<640x32xf32, #tpu.memory_space<vmem_shared>>
      %dma_start3A_65 = arith.constant 0 : i32
      %dma_start3A_66 = tpu.memref_slice %arg2[%mul3A_17, %dma_start3A_65] : memref<10240x32xf32, #tpu.memory_space<hbm>> -> memref<640x32xf32, #tpu.memory_space<hbm>>
      tpu.enqueue_dma source(%dma_start3A_66 : memref<640x32xf32, #tpu.memory_space<hbm>>) target(%dma_start3A_64 : memref<640x32xf32, #tpu.memory_space<vmem_shared>>) target_semaphore(%run_scoped3A : memref<!tpu.dma_semaphore, #tpu.memory_space<semaphore_mem>>)
      %dma_wait3A_67 = arith.constant 0 : i32
      %dma_wait3A_68 = tpu.memref_slice %arg11[%mul3A_19, %dma_wait3A_67] : memref<10240x32xf32, #tpu.memory_space<vmem_shared>> -> memref<640x32xf32, #tpu.memory_space<vmem_shared>>
      %dma_wait3A_69 = arith.constant 0 : i32
      %dma_wait3A_70 = tpu.memref_slice %arg2[%mul3A_17, %dma_wait3A_69] : memref<10240x32xf32, #tpu.memory_space<hbm>> -> memref<640x32xf32, #tpu.memory_space<hbm>>
      tpu.wait_dma2 semaphore(%run_scoped3A : memref<!tpu.dma_semaphore, #tpu.memory_space<semaphore_mem>>) src(%dma_wait3A_70 : memref<640x32xf32, #tpu.memory_space<hbm>>) dst(%dma_wait3A_68 : memref<640x32xf32, #tpu.memory_space<vmem_shared>>)
      tpu.yield
    }) : () -> ()
    %mul3A_20 = arith.constant 640 : i32
    %mul3A_21 = arith.muli %arg1, %mul3A_20 : i32
    %mul3A_22 = arith.constant 640 : i32
    %mul3A_23 = arith.muli %arg1, %mul3A_22 : i32
    "tpu.region"() ({
      %run_scoped3A = tpu.sem_alloc : memref<!tpu.dma_semaphore, #tpu.memory_space<semaphore_mem>>
      %dma_start3A_63 = arith.constant 0 : i32
      %dma_start3A_64 = tpu.memref_slice %arg12[%mul3A_23, %dma_start3A_63] : memref<10240x32xf32, #tpu.memory_space<vmem_shared>> -> memref<640x32xf32, #tpu.memory_space<vmem_shared>>
      %dma_start3A_65 = arith.constant 0 : i32
      %dma_start3A_66 = tpu.memref_slice %arg5[%mul3A_21, %dma_start3A_65] : memref<10240x32xf32, #tpu.memory_space<hbm>> -> memref<640x32xf32, #tpu.memory_space<hbm>>
      tpu.enqueue_dma source(%dma_start3A_66 : memref<640x32xf32, #tpu.memory_space<hbm>>) target(%dma_start3A_64 : memref<640x32xf32, #tpu.memory_space<vmem_shared>>) target_semaphore(%run_scoped3A : memref<!tpu.dma_semaphore, #tpu.memory_space<semaphore_mem>>)
      %dma_wait3A_67 = arith.constant 0 : i32
      %dma_wait3A_68 = tpu.memref_slice %arg12[%mul3A_23, %dma_wait3A_67] : memref<10240x32xf32, #tpu.memory_space<vmem_shared>> -> memref<640x32xf32, #tpu.memory_space<vmem_shared>>
      %dma_wait3A_69 = arith.constant 0 : i32
      %dma_wait3A_70 = tpu.memref_slice %arg5[%mul3A_21, %dma_wait3A_69] : memref<10240x32xf32, #tpu.memory_space<hbm>> -> memref<640x32xf32, #tpu.memory_space<hbm>>
      tpu.wait_dma2 semaphore(%run_scoped3A : memref<!tpu.dma_semaphore, #tpu.memory_space<semaphore_mem>>) src(%dma_wait3A_70 : memref<640x32xf32, #tpu.memory_space<hbm>>) dst(%dma_wait3A_68 : memref<640x32xf32, #tpu.memory_space<vmem_shared>>)
      tpu.yield
    }) : () -> ()
    %dma_wait3A = arith.constant 0 : i32
    %dma_wait3A_24 = arith.constant 0 : i32
    %dma_wait3A_25 = tpu.memref_slice %arg3[%add3A, %dma_wait3A, %dma_wait3A_24] : memref<32x81x128xi32, #tpu.memory_space<hbm>> -> memref<1x81x128xi32, #tpu.memory_space<hbm>>
    %dma_wait3A_26 = tpu.memref_squeeze %dma_wait3A_25 : memref<1x81x128xi32, #tpu.memory_space<hbm>> -> memref<81x128xi32, #tpu.memory_space<hbm>>
    %dma_wait3A_27 = arith.constant 0 : i32
    %dma_wait3A_28 = arith.constant 0 : i32
    %dma_wait3A_29 = tpu.memref_slice %arg3[%add3A, %dma_wait3A_27, %dma_wait3A_28] : memref<32x81x128xi32, #tpu.memory_space<hbm>> -> memref<1x81x128xi32, #tpu.memory_space<hbm>>
    %dma_wait3A_30 = tpu.memref_squeeze %dma_wait3A_29 : memref<1x81x128xi32, #tpu.memory_space<hbm>> -> memref<81x128xi32, #tpu.memory_space<hbm>>
    tpu.wait_dma2 semaphore(%arg13 : memref<!tpu.dma_semaphore, #tpu.memory_space<semaphore_mem>>) src(%dma_wait3A_30 : memref<81x128xi32, #tpu.memory_space<hbm>>) dst(%arg7 : memref<81x128xi32, #tpu.memory_space<vmem>>)
    %dma_wait3A_31 = arith.constant 0 : i32
    %dma_wait3A_32 = arith.constant 0 : i32
    %dma_wait3A_33 = tpu.memref_slice %arg4[%add3A, %dma_wait3A_31, %dma_wait3A_32] : memref<32x81x128xi32, #tpu.memory_space<hbm>> -> memref<1x81x128xi32, #tpu.memory_space<hbm>>
    %dma_wait3A_34 = tpu.memref_squeeze %dma_wait3A_33 : memref<1x81x128xi32, #tpu.memory_space<hbm>> -> memref<81x128xi32, #tpu.memory_space<hbm>>
    %dma_wait3A_35 = arith.constant 0 : i32
    %dma_wait3A_36 = arith.constant 0 : i32
    %dma_wait3A_37 = tpu.memref_slice %arg4[%add3A, %dma_wait3A_35, %dma_wait3A_36] : memref<32x81x128xi32, #tpu.memory_space<hbm>> -> memref<1x81x128xi32, #tpu.memory_space<hbm>>
    %dma_wait3A_38 = tpu.memref_squeeze %dma_wait3A_37 : memref<1x81x128xi32, #tpu.memory_space<hbm>> -> memref<81x128xi32, #tpu.memory_space<hbm>>
    tpu.wait_dma2 semaphore(%arg14 : memref<!tpu.dma_semaphore, #tpu.memory_space<semaphore_mem>>) src(%dma_wait3A_38 : memref<81x128xi32, #tpu.memory_space<hbm>>) dst(%arg8 : memref<81x128xi32, #tpu.memory_space<vmem>>)
    %barrier3A = arith.constant 0 : index
    tpu.barrier barrier_id(%barrier3A)
    %dma_start3A_39 = arith.constant 0 : i32
    %dma_start3A_40 = arith.constant 0 : i32
    %dma_start3A_41 = tpu.memref_slice %arg7[%dma_start3A_39, %dma_start3A_40] : memref<81x128xi32, #tpu.memory_space<vmem>> -> memref<1x128xi32, #tpu.memory_space<vmem>>
    %dma_start3A_42 = tpu.memref_squeeze %dma_start3A_41 : memref<1x128xi32, #tpu.memory_space<vmem>> -> memref<128xi32, #tpu.memory_space<vmem>>
    %dma_start3A_43 = arith.constant 0 : i32
    %dma_start3A_44 = arith.constant 0 : i32
    %dma_start3A_45 = tpu.memref_slice %arg11[%dma_start3A_43, %dma_start3A_44] : memref<10240x32xf32, #tpu.memory_space<vmem_shared>> -> memref<10240x32xf32, #tpu.memory_space<vmem_shared>>
    tpu.enqueue_indirect_dma source(%dma_start3A_45 : memref<10240x32xf32, #tpu.memory_space<vmem_shared>>) target(%arg9 : memref<128x32xf32, #tpu.memory_space<vmem>>) offsets(%dma_start3A_42 : memref<128xi32, #tpu.memory_space<vmem>>) semaphore(%arg13 : memref<!tpu.dma_semaphore, #tpu.memory_space<semaphore_mem>>)
    %scan3A = arith.constant 0 : i32
    %scan3A_46 = arith.constant 0 : i32
    %scan3A_47 = arith.constant 40 : i32
    %scan3A_48 = arith.addi %scan3A_46, %scan3A_47 : i32
    %scan3A_49 = arith.constant 1 : i32
    scf.for %scan3A_63 = %scan3A_46 to %scan3A_48 step %scan3A_49  : i32 {
      %mul3A_64 = arith.constant 2 : i32
      %mul3A_65 = arith.muli %mul3A_64, %scan3A_63 : i32
      %add3A_66 = arith.constant 1 : i32
      %add3A_67 = arith.addi %mul3A_65, %add3A_66 : i32
      %dma_start3A_68 = arith.constant 0 : i32
      %dma_start3A_69 = tpu.memref_slice %arg7[%add3A_67, %dma_start3A_68] : memref<81x128xi32, #tpu.memory_space<vmem>> -> memref<1x128xi32, #tpu.memory_space<vmem>>
      %dma_start3A_70 = tpu.memref_squeeze %dma_start3A_69 : memref<1x128xi32, #tpu.memory_space<vmem>> -> memref<128xi32, #tpu.memory_space<vmem>>
      %dma_start3A_71 = arith.constant 0 : i32
      %dma_start3A_72 = arith.constant 0 : i32
      %dma_start3A_73 = tpu.memref_slice %arg11[%dma_start3A_71, %dma_start3A_72] : memref<10240x32xf32, #tpu.memory_space<vmem_shared>> -> memref<10240x32xf32, #tpu.memory_space<vmem_shared>>
      tpu.enqueue_indirect_dma source(%dma_start3A_73 : memref<10240x32xf32, #tpu.memory_space<vmem_shared>>) target(%arg10 : memref<128x32xf32, #tpu.memory_space<vmem>>) offsets(%dma_start3A_70 : memref<128xi32, #tpu.memory_space<vmem>>) semaphore(%arg14 : memref<!tpu.dma_semaphore, #tpu.memory_space<semaphore_mem>>)
      %dma_wait3A_74 = arith.constant 0 : i32
      %dma_wait3A_75 = tpu.memref_slice %arg7[%mul3A_65, %dma_wait3A_74] : memref<81x128xi32, #tpu.memory_space<vmem>> -> memref<1x128xi32, #tpu.memory_space<vmem>>
      %dma_wait3A_76 = tpu.memref_squeeze %dma_wait3A_75 : memref<1x128xi32, #tpu.memory_space<vmem>> -> memref<128xi32, #tpu.memory_space<vmem>>
      %dma_wait3A_77 = arith.constant 0 : i32
      %dma_wait3A_78 = arith.constant 0 : i32
      %dma_wait3A_79 = tpu.memref_slice %arg11[%dma_wait3A_77, %dma_wait3A_78] : memref<10240x32xf32, #tpu.memory_space<vmem_shared>> -> memref<10240x32xf32, #tpu.memory_space<vmem_shared>>
      tpu.wait_indirect_dma semaphore(%arg13 : memref<!tpu.dma_semaphore, #tpu.memory_space<semaphore_mem>>) src(%dma_wait3A_79 : memref<10240x32xf32, #tpu.memory_space<vmem_shared>>) dst(%arg9 : memref<128x32xf32, #tpu.memory_space<vmem>>)
      "tpu.region"() ({
        %run_scoped3A = tpu.sem_alloc : memref<!tpu.dma_semaphore, #tpu.memory_space<semaphore_mem>>
        %dma_start3A_98 = arith.constant 0 : i32
        %dma_start3A_99 = tpu.memref_slice %arg8[%mul3A_65, %dma_start3A_98] : memref<81x128xi32, #tpu.memory_space<vmem>> -> memref<1x128xi32, #tpu.memory_space<vmem>>
        %dma_start3A_100 = tpu.memref_squeeze %dma_start3A_99 : memref<1x128xi32, #tpu.memory_space<vmem>> -> memref<128xi32, #tpu.memory_space<vmem>>
        %dma_start3A_101 = arith.constant 0 : i32
        %dma_start3A_102 = arith.constant 0 : i32
        %dma_start3A_103 = tpu.memref_slice %arg12[%dma_start3A_101, %dma_start3A_102] : memref<10240x32xf32, #tpu.memory_space<vmem_shared>> -> memref<10240x32xf32, #tpu.memory_space<vmem_shared>>
        tpu.enqueue_indirect_dma source(%arg9 : memref<128x32xf32, #tpu.memory_space<vmem>>) target(%dma_start3A_103 : memref<10240x32xf32, #tpu.memory_space<vmem_shared>>) offsets(%dma_start3A_100 : memref<128xi32, #tpu.memory_space<vmem>>) semaphore(%run_scoped3A : memref<!tpu.dma_semaphore, #tpu.memory_space<semaphore_mem>>) {add = true}
        %dma_wait3A_104 = arith.constant 0 : i32
        %dma_wait3A_105 = tpu.memref_slice %arg8[%mul3A_65, %dma_wait3A_104] : memref<81x128xi32, #tpu.memory_space<vmem>> -> memref<1x128xi32, #tpu.memory_space<vmem>>
        %dma_wait3A_106 = tpu.memref_squeeze %dma_wait3A_105 : memref<1x128xi32, #tpu.memory_space<vmem>> -> memref<128xi32, #tpu.memory_space<vmem>>
        %dma_wait3A_107 = arith.constant 0 : i32
        %dma_wait3A_108 = arith.constant 0 : i32
        %dma_wait3A_109 = tpu.memref_slice %arg12[%dma_wait3A_107, %dma_wait3A_108] : memref<10240x32xf32, #tpu.memory_space<vmem_shared>> -> memref<10240x32xf32, #tpu.memory_space<vmem_shared>>
        tpu.wait_indirect_dma semaphore(%run_scoped3A : memref<!tpu.dma_semaphore, #tpu.memory_space<semaphore_mem>>) src(%arg9 : memref<128x32xf32, #tpu.memory_space<vmem>>) dst(%dma_wait3A_109 : memref<10240x32xf32, #tpu.memory_space<vmem_shared>>)
        tpu.yield
      }) : () -> ()
      %add3A_80 = arith.constant 2 : i32
      %add3A_81 = arith.addi %mul3A_65, %add3A_80 : i32
      %dma_start3A_82 = arith.constant 0 : i32
      %dma_start3A_83 = tpu.memref_slice %arg7[%add3A_81, %dma_start3A_82] : memref<81x128xi32, #tpu.memory_space<vmem>> -> memref<1x128xi32, #tpu.memory_space<vmem>>
      %dma_start3A_84 = tpu.memref_squeeze %dma_start3A_83 : memref<1x128xi32, #tpu.memory_space<vmem>> -> memref<128xi32, #tpu.memory_space<vmem>>
      %dma_start3A_85 = arith.constant 0 : i32
      %dma_start3A_86 = arith.constant 0 : i32
      %dma_start3A_87 = tpu.memref_slice %arg11[%dma_start3A_85, %dma_start3A_86] : memref<10240x32xf32, #tpu.memory_space<vmem_shared>> -> memref<10240x32xf32, #tpu.memory_space<vmem_shared>>
      tpu.enqueue_indirect_dma source(%dma_start3A_87 : memref<10240x32xf32, #tpu.memory_space<vmem_shared>>) target(%arg9 : memref<128x32xf32, #tpu.memory_space<vmem>>) offsets(%dma_start3A_84 : memref<128xi32, #tpu.memory_space<vmem>>) semaphore(%arg13 : memref<!tpu.dma_semaphore, #tpu.memory_space<semaphore_mem>>)
      %add3A_88 = arith.constant 1 : i32
      %add3A_89 = arith.addi %mul3A_65, %add3A_88 : i32
      %dma_wait3A_90 = arith.constant 0 : i32
      %dma_wait3A_91 = tpu.memref_slice %arg7[%add3A_89, %dma_wait3A_90] : memref<81x128xi32, #tpu.memory_space<vmem>> -> memref<1x128xi32, #tpu.memory_space<vmem>>
      %dma_wait3A_92 = tpu.memref_squeeze %dma_wait3A_91 : memref<1x128xi32, #tpu.memory_space<vmem>> -> memref<128xi32, #tpu.memory_space<vmem>>
      %dma_wait3A_93 = arith.constant 0 : i32
      %dma_wait3A_94 = arith.constant 0 : i32
      %dma_wait3A_95 = tpu.memref_slice %arg11[%dma_wait3A_93, %dma_wait3A_94] : memref<10240x32xf32, #tpu.memory_space<vmem_shared>> -> memref<10240x32xf32, #tpu.memory_space<vmem_shared>>
      tpu.wait_indirect_dma semaphore(%arg14 : memref<!tpu.dma_semaphore, #tpu.memory_space<semaphore_mem>>) src(%dma_wait3A_95 : memref<10240x32xf32, #tpu.memory_space<vmem_shared>>) dst(%arg10 : memref<128x32xf32, #tpu.memory_space<vmem>>)
      %add3A_96 = arith.constant 1 : i32
      %add3A_97 = arith.addi %mul3A_65, %add3A_96 : i32
      "tpu.region"() ({
        %run_scoped3A = tpu.sem_alloc : memref<!tpu.dma_semaphore, #tpu.memory_space<semaphore_mem>>
        %dma_start3A_98 = arith.constant 0 : i32
        %dma_start3A_99 = tpu.memref_slice %arg8[%add3A_97, %dma_start3A_98] : memref<81x128xi32, #tpu.memory_space<vmem>> -> memref<1x128xi32, #tpu.memory_space<vmem>>
        %dma_start3A_100 = tpu.memref_squeeze %dma_start3A_99 : memref<1x128xi32, #tpu.memory_space<vmem>> -> memref<128xi32, #tpu.memory_space<vmem>>
        %dma_start3A_101 = arith.constant 0 : i32
        %dma_start3A_102 = arith.constant 0 : i32
        %dma_start3A_103 = tpu.memref_slice %arg12[%dma_start3A_101, %dma_start3A_102] : memref<10240x32xf32, #tpu.memory_space<vmem_shared>> -> memref<10240x32xf32, #tpu.memory_space<vmem_shared>>
        tpu.enqueue_indirect_dma source(%arg10 : memref<128x32xf32, #tpu.memory_space<vmem>>) target(%dma_start3A_103 : memref<10240x32xf32, #tpu.memory_space<vmem_shared>>) offsets(%dma_start3A_100 : memref<128xi32, #tpu.memory_space<vmem>>) semaphore(%run_scoped3A : memref<!tpu.dma_semaphore, #tpu.memory_space<semaphore_mem>>) {add = true}
        %dma_wait3A_104 = arith.constant 0 : i32
        %dma_wait3A_105 = tpu.memref_slice %arg8[%add3A_97, %dma_wait3A_104] : memref<81x128xi32, #tpu.memory_space<vmem>> -> memref<1x128xi32, #tpu.memory_space<vmem>>
        %dma_wait3A_106 = tpu.memref_squeeze %dma_wait3A_105 : memref<1x128xi32, #tpu.memory_space<vmem>> -> memref<128xi32, #tpu.memory_space<vmem>>
        %dma_wait3A_107 = arith.constant 0 : i32
        %dma_wait3A_108 = arith.constant 0 : i32
        %dma_wait3A_109 = tpu.memref_slice %arg12[%dma_wait3A_107, %dma_wait3A_108] : memref<10240x32xf32, #tpu.memory_space<vmem_shared>> -> memref<10240x32xf32, #tpu.memory_space<vmem_shared>>
        tpu.wait_indirect_dma semaphore(%run_scoped3A : memref<!tpu.dma_semaphore, #tpu.memory_space<semaphore_mem>>) src(%arg10 : memref<128x32xf32, #tpu.memory_space<vmem>>) dst(%dma_wait3A_109 : memref<10240x32xf32, #tpu.memory_space<vmem_shared>>)
        tpu.yield
      }) : () -> ()
    }
    %scan3A_50 = arith.constant 40 : i32
    %dma_wait3A_51 = arith.constant 80 : i32
    %dma_wait3A_52 = arith.constant 0 : i32
    %dma_wait3A_53 = tpu.memref_slice %arg7[%dma_wait3A_51, %dma_wait3A_52] : memref<81x128xi32, #tpu.memory_space<vmem>> -> memref<1x128xi32, #tpu.memory_space<vmem>>
    %dma_wait3A_54 = tpu.memref_squeeze %dma_wait3A_53 : memref<1x128xi32, #tpu.memory_space<vmem>> -> memref<128xi32, #tpu.memory_space<vmem>>
    %dma_wait3A_55 = arith.constant 0 : i32
    %dma_wait3A_56 = arith.constant 0 : i32
    %dma_wait3A_57 = tpu.memref_slice %arg11[%dma_wait3A_55, %dma_wait3A_56] : memref<10240x32xf32, #tpu.memory_space<vmem_shared>> -> memref<10240x32xf32, #tpu.memory_space<vmem_shared>>
    tpu.wait_indirect_dma semaphore(%arg13 : memref<!tpu.dma_semaphore, #tpu.memory_space<semaphore_mem>>) src(%dma_wait3A_57 : memref<10240x32xf32, #tpu.memory_space<vmem_shared>>) dst(%arg9 : memref<128x32xf32, #tpu.memory_space<vmem>>)
    %barrier3A_58 = arith.constant 0 : index
    tpu.barrier barrier_id(%barrier3A_58)
    %mul3A_59 = arith.constant 640 : i32
    %mul3A_60 = arith.muli %arg1, %mul3A_59 : i32
    %mul3A_61 = arith.constant 640 : i32
    %mul3A_62 = arith.muli %arg1, %mul3A_61 : i32
    "tpu.region"() ({
      %run_scoped3A = tpu.sem_alloc : memref<!tpu.dma_semaphore, #tpu.memory_space<semaphore_mem>>
      %dma_start3A_63 = arith.constant 0 : i32
      %dma_start3A_64 = tpu.memref_slice %arg6[%arg0, %mul3A_62, %dma_start3A_63] : memref<2x10240x32xf32, #tpu.memory_space<hbm>> -> memref<1x640x32xf32, #tpu.memory_space<hbm>>
      %dma_start3A_65 = tpu.memref_squeeze %dma_start3A_64 : memref<1x640x32xf32, #tpu.memory_space<hbm>> -> memref<640x32xf32, #tpu.memory_space<hbm>>
      %dma_start3A_66 = arith.constant 0 : i32
      %dma_start3A_67 = tpu.memref_slice %arg12[%mul3A_60, %dma_start3A_66] : memref<10240x32xf32, #tpu.memory_space<vmem_shared>> -> memref<640x32xf32, #tpu.memory_space<vmem_shared>>
      tpu.enqueue_dma source(%dma_start3A_67 : memref<640x32xf32, #tpu.memory_space<vmem_shared>>) target(%dma_start3A_65 : memref<640x32xf32, #tpu.memory_space<hbm>>) target_semaphore(%run_scoped3A : memref<!tpu.dma_semaphore, #tpu.memory_space<semaphore_mem>>)
      %dma_wait3A_68 = arith.constant 0 : i32
      %dma_wait3A_69 = tpu.memref_slice %arg6[%arg0, %mul3A_62, %dma_wait3A_68] : memref<2x10240x32xf32, #tpu.memory_space<hbm>> -> memref<1x640x32xf32, #tpu.memory_space<hbm>>
      %dma_wait3A_70 = tpu.memref_squeeze %dma_wait3A_69 : memref<1x640x32xf32, #tpu.memory_space<hbm>> -> memref<640x32xf32, #tpu.memory_space<hbm>>
      %dma_wait3A_71 = arith.constant 0 : i32
      %dma_wait3A_72 = tpu.memref_slice %arg12[%mul3A_60, %dma_wait3A_71] : memref<10240x32xf32, #tpu.memory_space<vmem_shared>> -> memref<640x32xf32, #tpu.memory_space<vmem_shared>>
      tpu.wait_dma2 semaphore(%run_scoped3A : memref<!tpu.dma_semaphore, #tpu.memory_space<semaphore_mem>>) src(%dma_wait3A_72 : memref<640x32xf32, #tpu.memory_space<vmem_shared>>) dst(%dma_wait3A_70 : memref<640x32xf32, #tpu.memory_space<hbm>>)
      tpu.yield
    }) : () -> ()
    return
  }
}

module attributes {stable_mosaic.version = 14 : i64} {
  func.func @_k0_body(%arg0: i32, %arg1: memref<512x128xf32, #tpu.memory_space<vmem>>, %arg2: memref<128x64xf32, #tpu.memory_space<vmem>>, %arg3: memref<32x512xf32, #tpu.memory_space<vmem>>, %arg4: memref<512x64xf32, #tpu.memory_space<vmem>>) attributes {dimension_semantics = [#tpu.dimension_semantics<arbitrary>], iteration_bounds = array<i64: 20>, scalar_prefetch = 0 : i64, scratch_operands = 0 : i64, tpu.core_type = #tpu.core_type<tc>, window_params = [{transform_indices = @transform_0, window_bounds = array<i64: 512, 128>}, {pipeline_mode = #tpu.pipeline_mode<synchronous>, transform_indices = @transform_1, window_bounds = array<i64: 128, 64>}, {transform_indices = @transform_2, window_bounds = array<i64: 32, 512>}, {transform_indices = @transform_3, window_bounds = array<i64: 512, 64>}]} {
    %get3A = arith.constant 0 : index
    %get3A_0 = arith.constant 0 : index
    %get3A_1 = vector.load %arg3[%get3A, %get3A_0] : memref<32x512xf32, #tpu.memory_space<vmem>>, vector<32x512xf32>
    %broadcast_in_dim3A = arith.constant 1.000000e+00 : f32
    %broadcast_in_dim3A_2 = vector.broadcast %broadcast_in_dim3A : f32 to vector<32x1xf32>
    %dot_general3A = arith.constant dense<0.000000e+00> : vector<512x1xf32>
    %dot_general3A_3 = tpu.matmul %get3A_1, %broadcast_in_dim3A_2, %dot_general3A {dimension_numbers = #tpu.dot_dimension_numbers<[0], [0], [1], [1], [0, 1, 1, 1], [], []>, precision = #tpu.contract_precision<fp32>, transpose_lhs_hint = false} : vector<32x512xf32>, vector<32x1xf32>, vector<512x1xf32> -> vector<512x1xf32>
    %add3A = arith.constant 1.000000e+00 : f32
    %add3A_4 = vector.broadcast %add3A : f32 to vector<512x1xf32>
    %add3A_5 = arith.addf %dot_general3A_3, %add3A_4 : vector<512x1xf32>
    %rsqrt3A = math.rsqrt %add3A_5 : vector<512x1xf32>
    %mul3A = arith.constant 5.000000e-01 : f32
    %mul3A_6 = vector.broadcast %mul3A : f32 to vector<512x1xf32>
    %mul3A_7 = arith.mulf %mul3A_6, %add3A_5 : vector<512x1xf32>
    %mul3A_8 = arith.mulf %mul3A_7, %rsqrt3A : vector<512x1xf32>
    %mul3A_9 = arith.mulf %mul3A_8, %rsqrt3A : vector<512x1xf32>
    %sub3A = arith.constant 1.500000e+00 : f32
    %sub3A_10 = vector.broadcast %sub3A : f32 to vector<512x1xf32>
    %sub3A_11 = arith.subf %sub3A_10, %mul3A_9 : vector<512x1xf32>
    %mul3A_12 = arith.mulf %rsqrt3A, %sub3A_11 : vector<512x1xf32>
    %get3A_13 = arith.constant 0 : index
    %get3A_14 = arith.constant 0 : index
    %get3A_15 = vector.load %arg1[%get3A_13, %get3A_14] : memref<512x128xf32, #tpu.memory_space<vmem>>, vector<512x128xf32>
    %get3A_16 = arith.constant 0 : index
    %get3A_17 = arith.constant 0 : index
    %get3A_18 = vector.load %arg2[%get3A_16, %get3A_17] : memref<128x64xf32, #tpu.memory_space<vmem>>, vector<128x64xf32>
    %dot_general3A_19 = arith.constant dense<0.000000e+00> : vector<512x64xf32>
    %dot_general3A_20 = tpu.matmul %get3A_15, %get3A_18, %dot_general3A_19 {dimension_numbers = #tpu.dot_dimension_numbers<[1], [0], [0], [1], [0, 0, 1, 1], [], []>, transpose_lhs_hint = false} : vector<512x128xf32>, vector<128x64xf32>, vector<512x64xf32> -> vector<512x64xf32>
    %mul3A_21 = vector.broadcast %mul3A_12 : vector<512x1xf32> to vector<512x64xf32>
    %mul3A_22 = arith.mulf %mul3A_21, %dot_general3A_20 : vector<512x64xf32>
    %swap3A = arith.constant 0 : index
    %swap3A_23 = arith.constant 0 : index
    %swap3A_24 = vector.load %arg4[%swap3A, %swap3A_23] : memref<512x64xf32, #tpu.memory_space<vmem>>, vector<512x64xf32>
    tpu.vector_store %arg4[%swap3A, %swap3A_23], %mul3A_22 {strides = array<i32>} : memref<512x64xf32, #tpu.memory_space<vmem>>, vector<512x64xf32>,
    return
  }
  func.func @transform_0(%arg0: i32) -> (i32, i32) {
    %c0_i32 = arith.constant 0 : i32
    %c0_i32_0 = arith.constant 0 : i32
    return %arg0, %c0_i32 : i32, i32
  }
  func.func @transform_1(%arg0: i32) -> (i32, i32) {
    %c0_i32 = arith.constant 0 : i32
    %c0_i32_0 = arith.constant 0 : i32
    %c0_i32_1 = arith.constant 0 : i32
    return %c0_i32, %c0_i32_0 : i32, i32
  }
  func.func @transform_2(%arg0: i32) -> (i32, i32) {
    %c0_i32 = arith.constant 0 : i32
    %c0_i32_0 = arith.constant 0 : i32
    return %c0_i32, %arg0 : i32, i32
  }
  func.func @transform_3(%arg0: i32) -> (i32, i32) {
    %c0_i32 = arith.constant 0 : i32
    %c0_i32_0 = arith.constant 0 : i32
    return %arg0, %c0_i32 : i32, i32
  }
}

module attributes {stable_mosaic.version = 14 : i64} {
  func.func @_mid_body(%arg0: i32, %arg1: memref<2x512x64xf32, #tpu.memory_space<vmem>>, %arg2: memref<512x64xf32, #tpu.memory_space<vmem>>, %arg3: memref<32x512xf32, #tpu.memory_space<vmem>>, %arg4: memref<1x64xf32, #tpu.memory_space<vmem>>, %arg5: memref<64x64xf32, #tpu.memory_space<vmem>>, %arg6: memref<512x64xf32, #tpu.memory_space<vmem>>) attributes {dimension_semantics = [#tpu.dimension_semantics<arbitrary>], iteration_bounds = array<i64: 20>, scalar_prefetch = 0 : i64, scratch_operands = 0 : i64, tpu.core_type = #tpu.core_type<tc>, window_params = [{transform_indices = @transform_0, window_bounds = array<i64: 2, 512, 64>}, {transform_indices = @transform_1, window_bounds = array<i64: 512, 64>}, {transform_indices = @transform_2, window_bounds = array<i64: 32, 512>}, {pipeline_mode = #tpu.pipeline_mode<synchronous>, transform_indices = @transform_3, window_bounds = array<i64: 1, 64>}, {pipeline_mode = #tpu.pipeline_mode<synchronous>, transform_indices = @transform_4, window_bounds = array<i64: 64, 64>}, {transform_indices = @transform_5, window_bounds = array<i64: 512, 64>}]} {
    %get3A = arith.constant 0 : index
    %get3A_0 = arith.constant 0 : index
    %get3A_1 = vector.load %arg3[%get3A, %get3A_0] : memref<32x512xf32, #tpu.memory_space<vmem>>, vector<32x512xf32>
    %broadcast_in_dim3A = arith.constant 1.000000e+00 : f32
    %broadcast_in_dim3A_2 = vector.broadcast %broadcast_in_dim3A : f32 to vector<32x1xf32>
    %dot_general3A = arith.constant dense<0.000000e+00> : vector<512x1xf32>
    %dot_general3A_3 = tpu.matmul %get3A_1, %broadcast_in_dim3A_2, %dot_general3A {dimension_numbers = #tpu.dot_dimension_numbers<[0], [0], [1], [1], [0, 1, 1, 1], [], []>, precision = #tpu.contract_precision<fp32>, transpose_lhs_hint = false} : vector<32x512xf32>, vector<32x1xf32>, vector<512x1xf32> -> vector<512x1xf32>
    %add3A = arith.constant 1.000000e+00 : f32
    %add3A_4 = vector.broadcast %add3A : f32 to vector<512x1xf32>
    %add3A_5 = arith.addf %dot_general3A_3, %add3A_4 : vector<512x1xf32>
    %rsqrt3A = math.rsqrt %add3A_5 : vector<512x1xf32>
    %mul3A = arith.constant 5.000000e-01 : f32
    %mul3A_6 = vector.broadcast %mul3A : f32 to vector<512x1xf32>
    %mul3A_7 = arith.mulf %mul3A_6, %add3A_5 : vector<512x1xf32>
    %mul3A_8 = arith.mulf %mul3A_7, %rsqrt3A : vector<512x1xf32>
    %mul3A_9 = arith.mulf %mul3A_8, %rsqrt3A : vector<512x1xf32>
    %sub3A = arith.constant 1.500000e+00 : f32
    %sub3A_10 = vector.broadcast %sub3A : f32 to vector<512x1xf32>
    %sub3A_11 = arith.subf %sub3A_10, %mul3A_9 : vector<512x1xf32>
    %mul3A_12 = arith.mulf %rsqrt3A, %sub3A_11 : vector<512x1xf32>
    %get3A_13 = arith.constant 0 : index
    %get3A_14 = arith.constant 0 : index
    %get3A_15 = arith.constant 0 : index
    %get3A_16 = vector.load %arg1[%get3A_13, %get3A_14, %get3A_15] : memref<2x512x64xf32, #tpu.memory_space<vmem>>, vector<1x512x64xf32>
    %get3A_17 = vector.shape_cast %get3A_16 : vector<1x512x64xf32> to vector<512x64xf32>
    %get3A_18 = arith.constant 1 : index
    %get3A_19 = arith.constant 0 : index
    %get3A_20 = arith.constant 0 : index
    %get3A_21 = vector.load %arg1[%get3A_18, %get3A_19, %get3A_20] : memref<2x512x64xf32, #tpu.memory_space<vmem>>, vector<1x512x64xf32>
    %get3A_22 = vector.shape_cast %get3A_21 : vector<1x512x64xf32> to vector<512x64xf32>
    %add3A_23 = arith.addf %get3A_17, %get3A_22 : vector<512x64xf32>
    %get3A_24 = arith.constant 0 : index
    %get3A_25 = arith.constant 0 : index
    %get3A_26 = vector.load %arg2[%get3A_24, %get3A_25] : memref<512x64xf32, #tpu.memory_space<vmem>>, vector<512x64xf32>
    %add3A_27 = arith.addf %add3A_23, %get3A_26 : vector<512x64xf32>
    %mul3A_28 = vector.broadcast %mul3A_12 : vector<512x1xf32> to vector<512x64xf32>
    %mul3A_29 = arith.mulf %mul3A_28, %add3A_27 : vector<512x64xf32>
    %get3A_30 = arith.constant 0 : index
    %get3A_31 = arith.constant 0 : index
    %get3A_32 = vector.load %arg4[%get3A_30, %get3A_31] : memref<1x64xf32, #tpu.memory_space<vmem>>, vector<1x64xf32>
    %add3A_33 = vector.broadcast %get3A_32 : vector<1x64xf32> to vector<512x64xf32>
    %add3A_34 = arith.addf %mul3A_29, %add3A_33 : vector<512x64xf32>
    %max3A = arith.constant 0.000000e+00 : f32
    %max3A_35 = vector.broadcast %max3A : f32 to vector<512x64xf32>
    %max3A_36 = arith.maximumf %add3A_34, %max3A_35 : vector<512x64xf32>
    %get3A_37 = arith.constant 0 : index
    %get3A_38 = arith.constant 0 : index
    %get3A_39 = vector.load %arg5[%get3A_37, %get3A_38] : memref<64x64xf32, #tpu.memory_space<vmem>>, vector<64x64xf32>
    %dot_general3A_40 = arith.constant dense<0.000000e+00> : vector<512x64xf32>
    %dot_general3A_41 = tpu.matmul %max3A_36, %get3A_39, %dot_general3A_40 {dimension_numbers = #tpu.dot_dimension_numbers<[1], [0], [0], [1], [0, 0, 1, 1], [], []>, transpose_lhs_hint = false} : vector<512x64xf32>, vector<64x64xf32>, vector<512x64xf32> -> vector<512x64xf32>
    %mul3A_42 = vector.broadcast %mul3A_12 : vector<512x1xf32> to vector<512x64xf32>
    %mul3A_43 = arith.mulf %mul3A_42, %dot_general3A_41 : vector<512x64xf32>
    %swap3A = arith.constant 0 : index
    %swap3A_44 = arith.constant 0 : index
    %swap3A_45 = vector.load %arg6[%swap3A, %swap3A_44] : memref<512x64xf32, #tpu.memory_space<vmem>>, vector<512x64xf32>
    tpu.vector_store %arg6[%swap3A, %swap3A_44], %mul3A_43 {strides = array<i32>} : memref<512x64xf32, #tpu.memory_space<vmem>>, vector<512x64xf32>,
    return
  }
  func.func @transform_0(%arg0: i32) -> (i32, i32, i32) {
    %c0_i32 = arith.constant 0 : i32
    %c0_i32_0 = arith.constant 0 : i32
    %c0_i32_1 = arith.constant 0 : i32
    return %c0_i32, %arg0, %c0_i32_0 : i32, i32, i32
  }
  func.func @transform_1(%arg0: i32) -> (i32, i32) {
    %c0_i32 = arith.constant 0 : i32
    %c0_i32_0 = arith.constant 0 : i32
    return %arg0, %c0_i32 : i32, i32
  }
  func.func @transform_2(%arg0: i32) -> (i32, i32) {
    %c0_i32 = arith.constant 0 : i32
    %c0_i32_0 = arith.constant 0 : i32
    return %c0_i32, %arg0 : i32, i32
  }
  func.func @transform_3(%arg0: i32) -> (i32, i32) {
    %c0_i32 = arith.constant 0 : i32
    %c0_i32_0 = arith.constant 0 : i32
    %c0_i32_1 = arith.constant 0 : i32
    return %c0_i32, %c0_i32_0 : i32, i32
  }
  func.func @transform_4(%arg0: i32) -> (i32, i32) {
    %c0_i32 = arith.constant 0 : i32
    %c0_i32_0 = arith.constant 0 : i32
    %c0_i32_1 = arith.constant 0 : i32
    return %c0_i32, %c0_i32_0 : i32, i32
  }
  func.func @transform_5(%arg0: i32) -> (i32, i32) {
    %c0_i32 = arith.constant 0 : i32
    %c0_i32_0 = arith.constant 0 : i32
    return %arg0, %c0_i32 : i32, i32
  }
}

module attributes {stable_mosaic.version = 14 : i64} {
  func.func @_mid_body(%arg0: i32, %arg1: memref<2x512x64xf32, #tpu.memory_space<vmem>>, %arg2: memref<512x64xf32, #tpu.memory_space<vmem>>, %arg3: memref<32x512xf32, #tpu.memory_space<vmem>>, %arg4: memref<1x64xf32, #tpu.memory_space<vmem>>, %arg5: memref<64x32xf32, #tpu.memory_space<vmem>>, %arg6: memref<512x32xf32, #tpu.memory_space<vmem>>) attributes {dimension_semantics = [#tpu.dimension_semantics<arbitrary>], iteration_bounds = array<i64: 20>, scalar_prefetch = 0 : i64, scratch_operands = 0 : i64, tpu.core_type = #tpu.core_type<tc>, window_params = [{transform_indices = @transform_0, window_bounds = array<i64: 2, 512, 64>}, {transform_indices = @transform_1, window_bounds = array<i64: 512, 64>}, {transform_indices = @transform_2, window_bounds = array<i64: 32, 512>}, {pipeline_mode = #tpu.pipeline_mode<synchronous>, transform_indices = @transform_3, window_bounds = array<i64: 1, 64>}, {pipeline_mode = #tpu.pipeline_mode<synchronous>, transform_indices = @transform_4, window_bounds = array<i64: 64, 32>}, {transform_indices = @transform_5, window_bounds = array<i64: 512, 32>}]} {
    %get3A = arith.constant 0 : index
    %get3A_0 = arith.constant 0 : index
    %get3A_1 = vector.load %arg3[%get3A, %get3A_0] : memref<32x512xf32, #tpu.memory_space<vmem>>, vector<32x512xf32>
    %broadcast_in_dim3A = arith.constant 1.000000e+00 : f32
    %broadcast_in_dim3A_2 = vector.broadcast %broadcast_in_dim3A : f32 to vector<32x1xf32>
    %dot_general3A = arith.constant dense<0.000000e+00> : vector<512x1xf32>
    %dot_general3A_3 = tpu.matmul %get3A_1, %broadcast_in_dim3A_2, %dot_general3A {dimension_numbers = #tpu.dot_dimension_numbers<[0], [0], [1], [1], [0, 1, 1, 1], [], []>, precision = #tpu.contract_precision<fp32>, transpose_lhs_hint = false} : vector<32x512xf32>, vector<32x1xf32>, vector<512x1xf32> -> vector<512x1xf32>
    %add3A = arith.constant 1.000000e+00 : f32
    %add3A_4 = vector.broadcast %add3A : f32 to vector<512x1xf32>
    %add3A_5 = arith.addf %dot_general3A_3, %add3A_4 : vector<512x1xf32>
    %rsqrt3A = math.rsqrt %add3A_5 : vector<512x1xf32>
    %mul3A = arith.constant 5.000000e-01 : f32
    %mul3A_6 = vector.broadcast %mul3A : f32 to vector<512x1xf32>
    %mul3A_7 = arith.mulf %mul3A_6, %add3A_5 : vector<512x1xf32>
    %mul3A_8 = arith.mulf %mul3A_7, %rsqrt3A : vector<512x1xf32>
    %mul3A_9 = arith.mulf %mul3A_8, %rsqrt3A : vector<512x1xf32>
    %sub3A = arith.constant 1.500000e+00 : f32
    %sub3A_10 = vector.broadcast %sub3A : f32 to vector<512x1xf32>
    %sub3A_11 = arith.subf %sub3A_10, %mul3A_9 : vector<512x1xf32>
    %mul3A_12 = arith.mulf %rsqrt3A, %sub3A_11 : vector<512x1xf32>
    %get3A_13 = arith.constant 0 : index
    %get3A_14 = arith.constant 0 : index
    %get3A_15 = arith.constant 0 : index
    %get3A_16 = vector.load %arg1[%get3A_13, %get3A_14, %get3A_15] : memref<2x512x64xf32, #tpu.memory_space<vmem>>, vector<1x512x64xf32>
    %get3A_17 = vector.shape_cast %get3A_16 : vector<1x512x64xf32> to vector<512x64xf32>
    %get3A_18 = arith.constant 1 : index
    %get3A_19 = arith.constant 0 : index
    %get3A_20 = arith.constant 0 : index
    %get3A_21 = vector.load %arg1[%get3A_18, %get3A_19, %get3A_20] : memref<2x512x64xf32, #tpu.memory_space<vmem>>, vector<1x512x64xf32>
    %get3A_22 = vector.shape_cast %get3A_21 : vector<1x512x64xf32> to vector<512x64xf32>
    %add3A_23 = arith.addf %get3A_17, %get3A_22 : vector<512x64xf32>
    %get3A_24 = arith.constant 0 : index
    %get3A_25 = arith.constant 0 : index
    %get3A_26 = vector.load %arg2[%get3A_24, %get3A_25] : memref<512x64xf32, #tpu.memory_space<vmem>>, vector<512x64xf32>
    %add3A_27 = arith.addf %add3A_23, %get3A_26 : vector<512x64xf32>
    %mul3A_28 = vector.broadcast %mul3A_12 : vector<512x1xf32> to vector<512x64xf32>
    %mul3A_29 = arith.mulf %mul3A_28, %add3A_27 : vector<512x64xf32>
    %get3A_30 = arith.constant 0 : index
    %get3A_31 = arith.constant 0 : index
    %get3A_32 = vector.load %arg4[%get3A_30, %get3A_31] : memref<1x64xf32, #tpu.memory_space<vmem>>, vector<1x64xf32>
    %add3A_33 = vector.broadcast %get3A_32 : vector<1x64xf32> to vector<512x64xf32>
    %add3A_34 = arith.addf %mul3A_29, %add3A_33 : vector<512x64xf32>
    %max3A = arith.constant 0.000000e+00 : f32
    %max3A_35 = vector.broadcast %max3A : f32 to vector<512x64xf32>
    %max3A_36 = arith.maximumf %add3A_34, %max3A_35 : vector<512x64xf32>
    %get3A_37 = arith.constant 0 : index
    %get3A_38 = arith.constant 0 : index
    %get3A_39 = vector.load %arg5[%get3A_37, %get3A_38] : memref<64x32xf32, #tpu.memory_space<vmem>>, vector<64x32xf32>
    %dot_general3A_40 = arith.constant dense<0.000000e+00> : vector<512x32xf32>
    %dot_general3A_41 = tpu.matmul %max3A_36, %get3A_39, %dot_general3A_40 {dimension_numbers = #tpu.dot_dimension_numbers<[1], [0], [0], [1], [0, 0, 1, 1], [], []>, transpose_lhs_hint = false} : vector<512x64xf32>, vector<64x32xf32>, vector<512x32xf32> -> vector<512x32xf32>
    %mul3A_42 = vector.broadcast %mul3A_12 : vector<512x1xf32> to vector<512x32xf32>
    %mul3A_43 = arith.mulf %mul3A_42, %dot_general3A_41 : vector<512x32xf32>
    %swap3A = arith.constant 0 : index
    %swap3A_44 = arith.constant 0 : index
    %swap3A_45 = vector.load %arg6[%swap3A, %swap3A_44] : memref<512x32xf32, #tpu.memory_space<vmem>>, vector<512x32xf32>
    tpu.vector_store %arg6[%swap3A, %swap3A_44], %mul3A_43 {strides = array<i32>} : memref<512x32xf32, #tpu.memory_space<vmem>>, vector<512x32xf32>,
    return
  }
  func.func @transform_0(%arg0: i32) -> (i32, i32, i32) {
    %c0_i32 = arith.constant 0 : i32
    %c0_i32_0 = arith.constant 0 : i32
    %c0_i32_1 = arith.constant 0 : i32
    return %c0_i32, %arg0, %c0_i32_0 : i32, i32, i32
  }
  func.func @transform_1(%arg0: i32) -> (i32, i32) {
    %c0_i32 = arith.constant 0 : i32
    %c0_i32_0 = arith.constant 0 : i32
    return %arg0, %c0_i32 : i32, i32
  }
  func.func @transform_2(%arg0: i32) -> (i32, i32) {
    %c0_i32 = arith.constant 0 : i32
    %c0_i32_0 = arith.constant 0 : i32
    return %c0_i32, %arg0 : i32, i32
  }
  func.func @transform_3(%arg0: i32) -> (i32, i32) {
    %c0_i32 = arith.constant 0 : i32
    %c0_i32_0 = arith.constant 0 : i32
    %c0_i32_1 = arith.constant 0 : i32
    return %c0_i32, %c0_i32_0 : i32, i32
  }
  func.func @transform_4(%arg0: i32) -> (i32, i32) {
    %c0_i32 = arith.constant 0 : i32
    %c0_i32_0 = arith.constant 0 : i32
    %c0_i32_1 = arith.constant 0 : i32
    return %c0_i32, %c0_i32_0 : i32, i32
  }
  func.func @transform_5(%arg0: i32) -> (i32, i32) {
    %c0_i32 = arith.constant 0 : i32
    %c0_i32_0 = arith.constant 0 : i32
    return %arg0, %c0_i32 : i32, i32
  }
}

module attributes {stable_mosaic.version = 14 : i64} {
  func.func @_k3_body(%arg0: i32, %arg1: memref<2x512x32xf32, #tpu.memory_space<vmem>>, %arg2: memref<512x32xf32, #tpu.memory_space<vmem>>, %arg3: memref<32x512xf32, #tpu.memory_space<vmem>>, %arg4: memref<1x32xf32, #tpu.memory_space<vmem>>, %arg5: memref<32x32xf32, #tpu.memory_space<vmem>>, %arg6: memref<1x32xf32, #tpu.memory_space<vmem>>, %arg7: memref<32x1xf32, #tpu.memory_space<vmem>>, %arg8: memref<1x1xf32, #tpu.memory_space<vmem>>, %arg9: memref<1x1xf32, #tpu.memory_space<vmem>>, %arg10: memref<8x32xf32, #tpu.memory_space<vmem>>) attributes {dimension_semantics = [#tpu.dimension_semantics<arbitrary>], iteration_bounds = array<i64: 20>, scalar_prefetch = 0 : i64, scratch_operands = 1 : i64, tpu.core_type = #tpu.core_type<tc>, window_params = [{transform_indices = @transform_0, window_bounds = array<i64: 2, 512, 32>}, {transform_indices = @transform_1, window_bounds = array<i64: 512, 32>}, {transform_indices = @transform_2, window_bounds = array<i64: 32, 512>}, {pipeline_mode = #tpu.pipeline_mode<synchronous>, transform_indices = @transform_3, window_bounds = array<i64: 1, 32>}, {pipeline_mode = #tpu.pipeline_mode<synchronous>, transform_indices = @transform_4, window_bounds = array<i64: 32, 32>}, {pipeline_mode = #tpu.pipeline_mode<synchronous>, transform_indices = @transform_5, window_bounds = array<i64: 1, 32>}, {pipeline_mode = #tpu.pipeline_mode<synchronous>, transform_indices = @transform_6, window_bounds = array<i64: 32, 1>}, {pipeline_mode = #tpu.pipeline_mode<synchronous>, transform_indices = @transform_7, window_bounds = array<i64: 1, 1>}, {pipeline_mode = #tpu.pipeline_mode<synchronous>, transform_indices = @transform_8, window_bounds = array<i64: 1, 1>}]} {
    %get3A = arith.constant 0 : index
    %get3A_0 = arith.constant 0 : index
    %get3A_1 = vector.load %arg3[%get3A, %get3A_0] : memref<32x512xf32, #tpu.memory_space<vmem>>, vector<32x512xf32>
    %broadcast_in_dim3A = arith.constant 1.000000e+00 : f32
    %broadcast_in_dim3A_2 = vector.broadcast %broadcast_in_dim3A : f32 to vector<32x1xf32>
    %dot_general3A = arith.constant dense<0.000000e+00> : vector<512x1xf32>
    %dot_general3A_3 = tpu.matmul %get3A_1, %broadcast_in_dim3A_2, %dot_general3A {dimension_numbers = #tpu.dot_dimension_numbers<[0], [0], [1], [1], [0, 1, 1, 1], [], []>, precision = #tpu.contract_precision<fp32>, transpose_lhs_hint = false} : vector<32x512xf32>, vector<32x1xf32>, vector<512x1xf32> -> vector<512x1xf32>
    %add3A = arith.constant 1.000000e+00 : f32
    %add3A_4 = vector.broadcast %add3A : f32 to vector<512x1xf32>
    %add3A_5 = arith.addf %dot_general3A_3, %add3A_4 : vector<512x1xf32>
    %rsqrt3A = math.rsqrt %add3A_5 : vector<512x1xf32>
    %mul3A = arith.constant 5.000000e-01 : f32
    %mul3A_6 = vector.broadcast %mul3A : f32 to vector<512x1xf32>
    %mul3A_7 = arith.mulf %mul3A_6, %add3A_5 : vector<512x1xf32>
    %mul3A_8 = arith.mulf %mul3A_7, %rsqrt3A : vector<512x1xf32>
    %mul3A_9 = arith.mulf %mul3A_8, %rsqrt3A : vector<512x1xf32>
    %sub3A = arith.constant 1.500000e+00 : f32
    %sub3A_10 = vector.broadcast %sub3A : f32 to vector<512x1xf32>
    %sub3A_11 = arith.subf %sub3A_10, %mul3A_9 : vector<512x1xf32>
    %mul3A_12 = arith.mulf %rsqrt3A, %sub3A_11 : vector<512x1xf32>
    %get3A_13 = arith.constant 0 : index
    %get3A_14 = arith.constant 0 : index
    %get3A_15 = arith.constant 0 : index
    %get3A_16 = vector.load %arg1[%get3A_13, %get3A_14, %get3A_15] : memref<2x512x32xf32, #tpu.memory_space<vmem>>, vector<1x512x32xf32>
    %get3A_17 = vector.shape_cast %get3A_16 : vector<1x512x32xf32> to vector<512x32xf32>
    %get3A_18 = arith.constant 1 : index
    %get3A_19 = arith.constant 0 : index
    %get3A_20 = arith.constant 0 : index
    %get3A_21 = vector.load %arg1[%get3A_18, %get3A_19, %get3A_20] : memref<2x512x32xf32, #tpu.memory_space<vmem>>, vector<1x512x32xf32>
    %get3A_22 = vector.shape_cast %get3A_21 : vector<1x512x32xf32> to vector<512x32xf32>
    %add3A_23 = arith.addf %get3A_17, %get3A_22 : vector<512x32xf32>
    %get3A_24 = arith.constant 0 : index
    %get3A_25 = arith.constant 0 : index
    %get3A_26 = vector.load %arg2[%get3A_24, %get3A_25] : memref<512x32xf32, #tpu.memory_space<vmem>>, vector<512x32xf32>
    %add3A_27 = arith.addf %add3A_23, %get3A_26 : vector<512x32xf32>
    %mul3A_28 = vector.broadcast %mul3A_12 : vector<512x1xf32> to vector<512x32xf32>
    %mul3A_29 = arith.mulf %mul3A_28, %add3A_27 : vector<512x32xf32>
    %get3A_30 = arith.constant 0 : index
    %get3A_31 = arith.constant 0 : index
    %get3A_32 = vector.load %arg4[%get3A_30, %get3A_31] : memref<1x32xf32, #tpu.memory_space<vmem>>, vector<1x32xf32>
    %add3A_33 = vector.broadcast %get3A_32 : vector<1x32xf32> to vector<512x32xf32>
    %add3A_34 = arith.addf %mul3A_29, %add3A_33 : vector<512x32xf32>
    %max3A = arith.constant 0.000000e+00 : f32
    %max3A_35 = vector.broadcast %max3A : f32 to vector<512x32xf32>
    %max3A_36 = arith.maximumf %add3A_34, %max3A_35 : vector<512x32xf32>
    %iota3A = tpu.iota {dimensions = array<i32: 0>} : vector<512x1xi32>
    %mul3A_37 = arith.constant 512 : i32
    %mul3A_38 = arith.muli %arg0, %mul3A_37 : i32
    %add3A_39 = vector.broadcast %mul3A_38 : i32 to vector<512x1xi32>
    %add3A_40 = arith.addi %iota3A, %add3A_39 : vector<512x1xi32>
    %lt3A = arith.constant 10000 : i32
    %lt3A_41 = vector.broadcast %lt3A : i32 to vector<512x1xi32>
    %lt3A_42 = arith.cmpi slt, %add3A_40, %lt3A_41 : vector<512x1xi32>
    %jit3A = arith.constant 0.000000e+00 : f32
    %broadcast_in_dim3A_43 = vector.shape_cast %lt3A_42 : vector<512x1xi1> to vector<512x1xi1>
    %broadcast_in_dim3A_44 = vector.broadcast %broadcast_in_dim3A_43 : vector<512x1xi1> to vector<512x32xi1>
    %broadcast_in_dim3A_45 = vector.broadcast %jit3A : f32 to vector<512x32xf32>
    %select_n3A = arith.select %broadcast_in_dim3A_44, %max3A_36, %broadcast_in_dim3A_45 : vector<512x32xi1>, vector<512x32xf32>
    %reshape3A = vector.shape_cast %select_n3A : vector<512x32xf32> to vector<64x8x32xf32>
    %reduce_sum3A = arith.constant dense<0.000000e+00> : vector<8x32xf32>
    %reduce_sum3A_46 = vector.multi_reduction <add>, %reshape3A, %reduce_sum3A [0] : vector<64x8x32xf32> to vector<8x32xf32>
    %eq3A = arith.constant 0 : i32
    %eq3A_47 = arith.cmpi eq, %arg0, %eq3A : i32
    %convert_element_type3A = arith.extui %eq3A_47 : i1 to i32
    %cond3A = arith.constant 0 : i32
    %cond3A_48 = arith.cmpi ne, %convert_element_type3A, %cond3A : i32
    scf.if %cond3A_48 {
      %swap3A = arith.constant 0 : index
      %swap3A_58 = arith.constant 0 : index
      %swap3A_59 = vector.load %arg10[%swap3A, %swap3A_58] : memref<8x32xf32, #tpu.memory_space<vmem>>, vector<8x32xf32>
      tpu.vector_store %arg10[%swap3A, %swap3A_58], %reduce_sum3A_46 {strides = array<i32>} : memref<8x32xf32, #tpu.memory_space<vmem>>, vector<8x32xf32>,
    } else {
    }
    %gt3A = arith.constant 0 : i32
    %gt3A_49 = arith.cmpi sgt, %arg0, %gt3A : i32
    %convert_element_type3A_50 = arith.extui %gt3A_49 : i1 to i32
    %cond3A_51 = arith.constant 0 : i32
    %cond3A_52 = arith.cmpi ne, %convert_element_type3A_50, %cond3A_51 : i32
    scf.if %cond3A_52 {
      %get3A_58 = arith.constant 0 : index
      %get3A_59 = arith.constant 0 : index
      %get3A_60 = vector.load %arg10[%get3A_58, %get3A_59] : memref<8x32xf32, #tpu.memory_space<vmem>>, vector<8x32xf32>
      %add3A_61 = arith.addf %get3A_60, %reduce_sum3A_46 : vector<8x32xf32>
      %swap3A = arith.constant 0 : index
      %swap3A_62 = arith.constant 0 : index
      %swap3A_63 = vector.load %arg10[%swap3A, %swap3A_62] : memref<8x32xf32, #tpu.memory_space<vmem>>, vector<8x32xf32>
      tpu.vector_store %arg10[%swap3A, %swap3A_62], %add3A_61 {strides = array<i32>} : memref<8x32xf32, #tpu.memory_space<vmem>>, vector<8x32xf32>,
    } else {
    }
    %eq3A_53 = arith.constant 19 : i32
    %eq3A_54 = arith.cmpi eq, %arg0, %eq3A_53 : i32
    %convert_element_type3A_55 = arith.extui %eq3A_54 : i1 to i32
    %cond3A_56 = arith.constant 0 : i32
    %cond3A_57 = arith.cmpi ne, %convert_element_type3A_55, %cond3A_56 : i32
    scf.if %cond3A_57 {
      %get3A_58 = arith.constant 0 : index
      %get3A_59 = arith.constant 0 : index
      %get3A_60 = vector.load %arg10[%get3A_58, %get3A_59] : memref<8x32xf32, #tpu.memory_space<vmem>>, vector<8x32xf32>
      %reduce_sum3A_61 = arith.constant dense<0.000000e+00> : vector<32xf32>
      %reduce_sum3A_62 = vector.multi_reduction <add>, %get3A_60, %reduce_sum3A_61 [0] : vector<8x32xf32> to vector<32xf32>
      %broadcast_in_dim3A_63 = vector.shape_cast %reduce_sum3A_62 : vector<32xf32> to vector<1x32xf32>
      %mul3A_64 = arith.constant 9.99999974E-5 : f32
      %mul3A_65 = vector.broadcast %mul3A_64 : f32 to vector<1x32xf32>
      %mul3A_66 = arith.mulf %broadcast_in_dim3A_63, %mul3A_65 : vector<1x32xf32>
      %get3A_67 = arith.constant 0 : index
      %get3A_68 = arith.constant 0 : index
      %get3A_69 = vector.load %arg5[%get3A_67, %get3A_68] : memref<32x32xf32, #tpu.memory_space<vmem>>, vector<32x32xf32>
      %dot_general3A_70 = arith.constant dense<0.000000e+00> : vector<1x32xf32>
      %dot_general3A_71 = tpu.matmul %mul3A_66, %get3A_69, %dot_general3A_70 {dimension_numbers = #tpu.dot_dimension_numbers<[1], [0], [0], [1], [0, 0, 1, 1], [], []>, transpose_lhs_hint = false} : vector<1x32xf32>, vector<32x32xf32>, vector<1x32xf32> -> vector<1x32xf32>
      %get3A_72 = arith.constant 0 : index
      %get3A_73 = arith.constant 0 : index
      %get3A_74 = vector.load %arg6[%get3A_72, %get3A_73] : memref<1x32xf32, #tpu.memory_space<vmem>>, vector<1x32xf32>
      %add3A_75 = arith.addf %dot_general3A_71, %get3A_74 : vector<1x32xf32>
      %max3A_76 = arith.constant 0.000000e+00 : f32
      %max3A_77 = vector.broadcast %max3A_76 : f32 to vector<1x32xf32>
      %max3A_78 = arith.maximumf %add3A_75, %max3A_77 : vector<1x32xf32>
      %get3A_79 = arith.constant 0 : index
      %get3A_80 = arith.constant 0 : index
      %get3A_81 = vector.load %arg7[%get3A_79, %get3A_80] : memref<32x1xf32, #tpu.memory_space<vmem>>, vector<32x1xf32>
      %dot_general3A_82 = arith.constant dense<0.000000e+00> : vector<1x1xf32>
      %dot_general3A_83 = tpu.matmul %max3A_78, %get3A_81, %dot_general3A_82 {dimension_numbers = #tpu.dot_dimension_numbers<[1], [0], [0], [1], [0, 0, 1, 1], [], []>, transpose_lhs_hint = false} : vector<1x32xf32>, vector<32x1xf32>, vector<1x1xf32> -> vector<1x1xf32>
      %get3A_84 = arith.constant 0 : index
      %get3A_85 = arith.constant 0 : index
      %get3A_86 = vector.load %arg8[%get3A_84, %get3A_85] : memref<1x1xf32, #tpu.memory_space<vmem>>, vector<1x1xf32>
      %add3A_87 = arith.addf %dot_general3A_83, %get3A_86 : vector<1x1xf32>
      %swap3A = arith.constant 0 : index
      %swap3A_88 = arith.constant 0 : index
      %swap3A_89 = vector.load %arg9[%swap3A, %swap3A_88] : memref<1x1xf32, #tpu.memory_space<vmem>>, vector<1x1xf32>
      tpu.vector_store %arg9[%swap3A, %swap3A_88], %add3A_87 {strides = array<i32>} : memref<1x1xf32, #tpu.memory_space<vmem>>, vector<1x1xf32>,
    } else {
    }
    return
  }
  func.func @transform_0(%arg0: i32) -> (i32, i32, i32) {
    %c0_i32 = arith.constant 0 : i32
    %c0_i32_0 = arith.constant 0 : i32
    %c0_i32_1 = arith.constant 0 : i32
    return %c0_i32, %arg0, %c0_i32_0 : i32, i32, i32
  }
  func.func @transform_1(%arg0: i32) -> (i32, i32) {
    %c0_i32 = arith.constant 0 : i32
    %c0_i32_0 = arith.constant 0 : i32
    return %arg0, %c0_i32 : i32, i32
  }
  func.func @transform_2(%arg0: i32) -> (i32, i32) {
    %c0_i32 = arith.constant 0 : i32
    %c0_i32_0 = arith.constant 0 : i32
    return %c0_i32, %arg0 : i32, i32
  }
  func.func @transform_3(%arg0: i32) -> (i32, i32) {
    %c0_i32 = arith.constant 0 : i32
    %c0_i32_0 = arith.constant 0 : i32
    %c0_i32_1 = arith.constant 0 : i32
    return %c0_i32, %c0_i32_0 : i32, i32
  }
  func.func @transform_4(%arg0: i32) -> (i32, i32) {
    %c0_i32 = arith.constant 0 : i32
    %c0_i32_0 = arith.constant 0 : i32
    %c0_i32_1 = arith.constant 0 : i32
    return %c0_i32, %c0_i32_0 : i32, i32
  }
  func.func @transform_5(%arg0: i32) -> (i32, i32) {
    %c0_i32 = arith.constant 0 : i32
    %c0_i32_0 = arith.constant 0 : i32
    %c0_i32_1 = arith.constant 0 : i32
    return %c0_i32, %c0_i32_0 : i32, i32
  }
  func.func @transform_6(%arg0: i32) -> (i32, i32) {
    %c0_i32 = arith.constant 0 : i32
    %c0_i32_0 = arith.constant 0 : i32
    %c0_i32_1 = arith.constant 0 : i32
    return %c0_i32, %c0_i32_0 : i32, i32
  }
  func.func @transform_7(%arg0: i32) -> (i32, i32) {
    %c0_i32 = arith.constant 0 : i32
    %c0_i32_0 = arith.constant 0 : i32
    %c0_i32_1 = arith.constant 0 : i32
    return %c0_i32, %c0_i32_0 : i32, i32
  }
  func.func @transform_8(%arg0: i32) -> (i32, i32) {
    %c0_i32 = arith.constant 0 : i32
    %c0_i32_0 = arith.constant 0 : i32
    %c0_i32_1 = arith.constant 0 : i32
    return %c0_i32, %c0_i32_0 : i32, i32
  }
}

</mosaic_0001>

<sc_bundles>
// kernel: kernel.10.cloned.1.call-start
scs
__scs_entry_jumppad:
0x0: {  	(pc) =	sbr.rel $0x88, $3  }
0x1: {  	(tag) =	ssettag $0x0;
	lr =	simm.s32 $0x1  }
0x2: {  	[smem:$0x3F95] =	sst lr;
	_ =	strace $0xD0000000  }
0x3: {  	_ = 	snop  }
0x4: {  	_ = 	snop  }
0x5: {  	_ = 	snop  }
0x6: {  	_ = 	snop  }
0x7: {  	_ = 	snop  }
__scs_overlays_trampoline_lowered:
0x8: {  	[smem:$0x3FA4] =	sst s0  }
0x9: {  	[smem:$0x3FA5] =	sst s1  }
0xa: {  	[smem:$0x3FA6] =	sst s2  }
0xb: {  	[smem:$0x3FA7] =	sst s3  }
0xc: {  	[smem:$0x3FA8] =	sst s4  }
0xd: {  	[smem:$0x3FA9] =	sst s5  }
0xe: {  	[smem:$0x3FAA] =	sst s6  }
0xf: {  	[smem:$0x3FAB] =	sst s7  }
0x10: {  	[smem:$0x3FAC] =	sst s8  }
0x11: {  	[smem:$0x3FAD] =	sst s9;
	s0 =	simm.s32 @!p0 $0x0  }
0x12: {  	s1 =	sld [smem:$0x3F93];
	s0 =	simm.s32 @p0 $0x1  }
0x13: {  	[smem:$0x3FAE] =	sst s0;
	s0 =	simm.s32 @!p1 $0x0  }
0x14: {  	s2 =	sld [smem:$0x3F92];
	s0 =	simm.s32 @p1 $0x1  }
0x15: {  	[smem:$0x3FAF] =	sst s0;
	s0 =	simm.s32 @!p2 $0x0  }
0x16: {  	s3 =	sld [smem:$0x3FDB];
	s0 =	simm.s32 @p2 $0x1  }
0x17: {  	s4 =	simm.s32 $0x1BF5;
	[smem:$0x3FB1] =	sst s0  }
0x18: {  	s0 =	sld [smem:$0x3F94];
	_ =	swait.ge [sflag:s4], $0x0  }
0x19: {  	s7 =	sld [smem:$0x3F95]  }
0x1a: {  	s8 =	sadd.s32 $0xFFFFE003, lr  }
0x1b: {  	s9 =	sadd.s32 $0xFFFFFEF7, lr;
	s5 =	simm.s32 $0xFFFFFFFF;
	p2 =	slt.u32 s8, $0xFFFFF086  }
0x1c: {  	p1 =	slt.u32 s9, $0xF7A;
	s5 =	simm.s32 @!p2 $0x0  }
0x1d: {  	s5 =	simm.s32 @p1 $0x1;
	p0 =	seq.s32 s7, s2  }
0x1e: {  	s7 =	smul.u32 @!p0 $0xF7A, s2;
	p2 =	seq.s32 @!p0 s5, $0x0  }
0x1f: {  	s9 =	smul.u32 $0xF7A, s1;
	s8 =	simm.s32 @!p0 $0x1BF5;
	p2 =	por !p2, p0  }
0x20: {  	[sflag:s8] =	ssyncset.s32 @!p0 $0xFFFFF086;
	s6 =	sadd.s32 @!p0 s3, s7;
	s7 =	simm.s32 @!p0 $0x108  }
0x21: {  	s3 =	sadd.s32 s3, s9;
	s6 =	sadd.s32 @!p0 $0x88, s6;
	s7 =	simm.s32 @p2 $0x1082  }
0x22: {  	[simem:s7], [sflag:s8] =	dma.local @!p0 [hbm:s6], $0xF7A  }
0x23: {  	s9 =	sor.u32 $0xD0000000, s2;
	s6 =	simm.s32 $0x108;
	_ =	swait.ge @!p0 [sflag:s8], $0x0  }
0x24: {  	s3 =	sadd.s32 $0x88, s3;
	s6 =	simm.s32 @!p1 $0x1082;
	[sflag:s4] =	ssyncset.s32 $0xFFFFF086  }
0x25: {  	[simem:s6], [sflag:s4] =	dma.local [hbm:s3], $0xF7A  }
0x26: {  	[smem:$0x3F95] =	sst s1;
	(tag) =	ssettag s2;
	_ =	strace s9  }
0x27: {  	s1 =	sld [smem:$0x3FA5]  }
0x28: {  	s2 =	sld [smem:$0x3FA6]  }
0x29: {  	s4 =	sld [smem:$0x3FA8]  }
0x2a: {  	p0 =	seq.s32 s5, $0x0;
	s5 =	sld [smem:$0x3FA9]  }
0x2b: {  	s6 =	sld [smem:$0x3FAA]  }
0x2c: {  	s7 =	sld [smem:$0x3FAB]  }
0x2d: {  	s3 =	simm.s32 $0x108;
	s8 =	sld [smem:$0x3FAC]  }
0x2e: {  	s3 =	simm.s32 @!p0 $0x1082;
	s9 =	sld [smem:$0x3FAD]  }
0x2f: {  	lr =	sadd.s32 s0, s3;
	s0 =	sld [smem:$0x3FA4]  }
0x30: {  	s3 =	sld [smem:$0x3FA7]  }
0x31: {  	[smem:$0x3FB0] =	sst s10  }
0x32: {  	s10 =	sld [smem:$0x3FAE];
	_ =	sdelay $0x3  }
0x33: {  	p0 =	seq.s32 s10, $0x1;
	s10 =	sld [smem:$0x3FB0];
	_ =	sdelay $0x3  }
0x34: {  	[smem:$0x3FB0] =	sst s10  }
0x35: {  	s10 =	sld [smem:$0x3FAF];
	_ =	sdelay $0x3  }
0x36: {  	p1 =	seq.s32 s10, $0x1;
	s10 =	sld [smem:$0x3FB0];
	_ =	sdelay $0x3  }
0x37: {  	[smem:$0x3FB0] =	sst s10  }
0x38: {  	s10 =	sld [smem:$0x3FB1]  }
0x39: {  	_ = 	snop;
	(pc) =	sbr.ind lr, $3  }
0x3a: {  	_ = 	snop  }
0x3b: {  	_ = 	snop  }
0x3c: {  	p2 =	seq.s32 s10, $0x1;
	s10 =	sld [smem:$0x3FB0]  }
0x3d: {  	_ =	shalt  }
0x3e: {  	_ =	shalt  }
0x3f: {  	_ =	shalt  }
0x40: {  	_ =	shalt  }
0x41: {  	_ =	shalt  }
0x42: {  	_ =	shalt  }
0x43: {  	_ =	shalt  }
0x44: {  	_ =	shalt  }
0x45: {  	_ =	shalt  }
0x46: {  	_ =	shalt  }
0x47: {  	_ =	shalt  }
0x48: {  	_ =	shalt  }
0x49: {  	_ =	shalt  }
0x4a: {  	_ =	shalt  }
0x4b: {  	_ =	shalt  }
0x4c: {  	_ =	shalt  }
0x4d: {  	_ =	shalt  }
0x4e: {  	_ =	shalt  }
0x4f: {  	_ =	shalt  }
0x50: {  	_ =	shalt  }
0x51: {  	_ =	shalt  }
0x52: {  	_ =	shalt  }
0x53: {  	_ =	shalt  }
0x54: {  	_ =	shalt  }
0x55: {  	_ =	shalt  }
0x56: {  	_ =	shalt  }
0x57: {  	_ =	shalt  }
0x58: {  	_ =	shalt  }
0x59: {  	_ =	shalt  }
0x5a: {  	_ =	shalt  }
0x5b: {  	_ =	shalt  }
0x5c: {  	_ =	shalt  }
0x5d: {  	_ =	shalt  }
0x5e: {  	_ =	shalt  }
0x5f: {  	_ =	shalt  }
0x60: {  	_ =	shalt  }
0x61: {  	_ =	shalt  }
0x62: {  	_ =	shalt  }
0x63: {  	_ =	shalt  }
0x64: {  	_ =	shalt  }
0x65: {  	_ =	shalt  }
0x66: {  	_ =	shalt  }
0x67: {  	_ =	shalt  }
0x68: {  	_ =	shalt  }
0x69: {  	_ =	shalt  }
0x6a: {  	_ =	shalt  }
0x6b: {  	_ =	shalt  }
0x6c: {  	_ =	shalt  }
0x6d: {  	_ =	shalt  }
0x6e: {  	_ =	shalt  }
0x6f: {  	_ =	shalt  }
0x70: {  	_ =	shalt  }
0x71: {  	_ =	shalt  }
0x72: {  	_ =	shalt  }
0x73: {  	_ =	shalt  }
0x74: {  	_ =	shalt  }
0x75: {  	_ =	shalt  }
0x76: {  	_ =	shalt  }
0x77: {  	_ =	shalt  }
0x78: {  	_ =	shalt  }
0x79: {  	_ =	shalt  }
0x7a: {  	_ =	shalt  }
0x7b: {  	_ =	shalt  }
0x7c: {  	_ =	shalt  }
0x7d: {  	_ =	shalt  }
0x7e: {  	_ =	shalt  }
0x7f: {  	_ =	shalt  }
0x80: {  	_ =	shalt  }
0x81: {  	_ =	shalt  }
0x82: {  	_ =	shalt  }
0x83: {  	_ =	shalt  }
0x84: {  	_ =	shalt  }
0x85: {  	_ =	shalt  }
0x86: {  	_ =	shalt  }
0x87: {  	_ =	shalt  }
.Lfunc_end0:
.L_simem_size_0:
called_computation_lowered:
.L_overlay_start_0:
0x88: {  	s2 =	sld [smem:$0x3FD9]  }
0x89: {  	s3 =	sld [smem:$0x3FFE];
	_ =	sdelay $0x1  }
0x8a: {  	s1 =	srdreg.scid  }
0x8b: {  	s0 =	sand.u32 $0x1, s1  }
0x8c: {  	s16 =	sshll.u32 s0, $0xA;
	s2 =	sadd.s32 s3, s2  }
0x8d: {  	s2 =	sadd.s32 s2, s16  }
0x8e: {  	[smem:$0x3FBC] =	sst s2  }
0x8f: {  	_ = 	snop  }
0x90: {  	(tm) =	ssettm $0x1  }
0x91: {  	s17 =	sld [smem:$0x3FFB];
	_ =	sdelay $0x3  }
0x92: {  	_ =	strace s17  }
0x93: {  	s2 =	sld [smem:$0x3FFC];
	_ =	sdelay $0x3  }
0x94: {  	_ =	strace s2  }
0x95: {  	s2 =	sld [smem:$0x3FFD];
	_ =	sdelay $0x3  }
0x96: {  	_ =	strace s2  }
0x97: {  	_ =	strace $0x8FFFFFFF  }
0x98: {  	s18 =	sld [smem:$0x3FDB];
	_ =	sdelay $0x1  }
0x99: {  	s19 =	simm.s32 $_scs_section_size  }
0x9a: {  	s4 =	simm.s32 $_size__tile_overlayer_lowered;
	s5 =	simm.s32 $_tile_overlayer_lowered  }
0x9b: {  	s22 =	simm.s32 $0x1BFF;
	s21 =	sshll.u32 s5, $0x1;
	s2 =	sadd.s32 s19, s18  }
0x9c: {  	s6 =	simm.s32 $0x0;
	s20 =	sshll.u32 s4, $0x1;
	s4 =	sadd.s32 s21, s2  }
0x9d: {  	[timem:s6], [sflag:s22] =	dma.local [hbm:s4], s20  }
0x9e: {  	_ =	swait.ge [sflag:s22], s20  }
0x9f: {  	s3 =	ssub.s32 $0x0, s20;
	[sflag:s22] =	ssyncset.done $0x0  }
0xa0: {  	[sflag:s22] =	ssyncadd.s32 s3;
	_ =	sdelay $0x1  }
0xa1: {  	s23 =	simm.s32 $0x1B8B  }
0xa2: {  	_ =	swait.ge [sflag:s23], $0x1  }
0xa3: {  	[sflag:s23] =	ssyncset.done $0x0  }
0xa4: {  	s25 =	simm.s32 $0x1B8E;
	s24 =	sld [smem:$0x3FFE];
	[sflag:s23] =	ssyncadd.s32 $0xFFFFFFFF  }
0xa5: {  	s26 =	simm.s32 $execute0_lowered;
	[smem:$0x3FD2] =	sst s25  }
0xa6: {  	s4 =	sshll.u32 s26, $0x1;
	_ =	strace $0x80000046;
	[dreg:$0x1] =	wrdreg $0xFFFFFFFF  }
0xa7: {  	s28 =	simm.s32 $_size_execute0_lowered;
	s2 =	sadd.s32 s2, s4;
	[dreg:$0x0] =	wrdreg $0x0  }
0xa8: {  	s4 =	sshll.u32 s28, $0x1;
	[dreg:$0x2] =	wrdreg s2  }
0xa9: {  	[dreg:$0x3] =	wrdreg s4  }
0xaa: {  	[dreg:$0x4] =	wrdreg $0xC0  }
0xab: {  	_ =	task [dreg:s6], $0x5FFFF  }
0xac: {  	[dreg:$0x1] =	wrdreg $0xFFFFFFFF  }
0xad: {  	[dreg:$0x0] =	wrdreg $0x60  }
0xae: {  	[dreg:$0x2] =	wrdreg s24  }
0xaf: {  	[dreg:$0x3] =	wrdreg $0x9  }
0xb0: {  	_ =	task.clear_ibuf [dreg:s6], $0x4FFFF;
	_ =	strace $0x90000046  }
0xb1: {  	s29 =	simm.s32 $0x9;
	_ =	strace $0x80000048  }
0xb2: {  	_ =	swait.ge [sflag:s29], $0x1  }
0xb3: {  	[sflag:s29] =	ssyncadd.s32 $0xFFFFFFFF  }
0xb4: {  	_ =	strace $0x90000048  }
0xb5: {  	_ =	sfence  }
0xb6: {  	s30 =	sld [smem:$0x0];
	_ =	sdelay $0x2  }
0xb7: {  	s31 =	sshll.u32 s1, $0xD;
	s1 =	sshrl.u32 s1, $0x2  }
0xb8: {  	s3 =	sand.u32 $0x4000, s31;
	s1 =	sadd.s32 s1, s30  }
0xb9: {  	s0 =	sor.u32 s3, s0;
	s1 =	sshll.u32 s1, $0x11  }
0xba: {  	s0 =	sor.u32 s1, s0  }
0xbb: {  	s0 =	sadd.s32 $0x8F2B, s0  }
0xbc: {  	[sflag:s0] =	ssyncadd.remote.s32 $0x1  }
0xbd: {  	_ =	sfence.sel $0xFFFF  }
0xbe: {  	[dreg:$0x0] =	wrdreg $0xFFFFFFFF;
	(pc) =	sbr.abs _section_cstart, $3  }
0xbf: {  	[dreg:$0x1] =	wrdreg $0xFFFFFFFF  }
0xc0: {  	_ =	task.clear_ibuf [dreg:s6], $0x2FFFF;
	_ =	strace $0x9FFFFFFF  }
0xc1: {  	(tm) =	ssettm $0x7FFFFFFF  }
tec
execute0_lowered:
.L_overlay_start_1:
0x0: {  	(tag) =	ssettag $0x1  }
0x1: {  	s0 =	srdreg.scid  }
0x2: {  	s5 =	rddreg [dreg:$0x0];
	s3 =	sand.u32 $0x1, s0  }
0x3: {  	s2 =	simm.s32 $0x0;
	s0 =	stileid.u32;
	s1 =	sshll.u32 s3, $0x4  }
0x4: {  	s8 =	simm.s32 $0x80;
	s9 =	simm.s32 $0x400;
	s4 =	sor.u32 s0, s1  }
0x5: {  	s10 =	simm.s32 $0x0;
	[smem:$0x7FF] =	sst s2;
	s1 =	sshrl.u32 s4, $0x3  }
0x6: {  	s7 =	sshll.u32 s0, $0x7;
	s3 =	ssub.s32 $0x2, s3;
	s6 =	smul.u32 $0x14000, s1  }
0x7: {  	s7 =	sand.u32 $0x380, s7;
	s31 =	sshrl.u32 s3, $0x1;
	s4 =	smul.u32 $0x580, s4  }
0x8: {  	s1 =	rddreg [dreg:$0x1];
	_ =	strace $0x80000047;
	s6 =	sor.u32 s7, s6  }
0x9: {  	s4 =	sadd.s32 s4, s5;
	s7 =	simm.s32 $0x2C00;
	s6 =	sshrl.u32 s6, $0x3  }
0xa: {  	s5 =	sadd.s32 s6, s5;
	s6 =	ssub.s32 s3, s31;
	s3 =	sadd.s32 $0x2600, s4  }
0xb: {  	v0 =	vimm.f32 $0.0e+00;
	v1 =	vimm.f32 $1.000000000e+00;
	s4 =	sadd.s32 $0xD600, s5;
	s5 =	smax.u32 s6, $0x1;
	s6 =	simm.s32 $0x1  }
.LBB2_1:
0xc: {  	[tilespmem:s2], [sflag:$0x1] =	stream.linear.gather [hbm4b:s3+s2], $0x2880, $0x38;
	[tilespmem:$0x5400] =	vst v63  }
0xd: {  	_ =	swait.ge [sflag:s6], $0x2880  }
0xe: {  	[sflag:s6] =	ssyncset.done $0x0  }
0xf: {  	s11 =	simm.s32 $0x0;
	[sflag:s6] =	ssyncadd.s32 $0xFFFFD780  }
.LBB2_2:
0x10: {  	p0 =	sne.s32 s11, $0x9FC0  }
.Ltmp0:
0x11: {  	_ = 	snop;
	(pc) =	sbr.rel @p0 .LBB2_2-.Ltmp0, $3  }
0x12: {  	_ =	sdelay $0x1  }
0x13: {  	s12 =	sshra.s32 s11, $0x2  }
0x14: {  	s11 =	sadd.s32 $0x40, s11;
	[tilespmem:s12+$0x2C00] =	vst v0  }
0x15: {  	s11 =	simm.s32 $0x1C0  }
.LBB2_4:
0x16: {  	s12 =	sshra.s32 s11, $0x2  }
0x17: {  	v2 =	vld [tilespmem:s12+$0xFFFFFF90];
	_ =	sdelay $0x7  }
0x18: {  	[tilespmem:v2+s7+$0x0] =	vst.idx.add.f32.msk $0xffff, v1  }
0x19: {  	v2 =	vld [tilespmem:s12+$0xFFFFFFA0];
	_ =	sdelay $0x7  }
0x1a: {  	[tilespmem:v2+s7+$0x0] =	vst.idx.add.f32.msk $0xffff, v1  }
0x1b: {  	v2 =	vld [tilespmem:s12+$0xFFFFFFB0];
	_ =	sdelay $0x7  }
0x1c: {  	[tilespmem:v2+s7+$0x0] =	vst.idx.add.f32.msk $0xffff, v1  }
0x1d: {  	v2 =	vld [tilespmem:s12+$0xFFFFFFC0];
	_ =	sdelay $0x7  }
0x1e: {  	[tilespmem:v2+s7+$0x0] =	vst.idx.add.f32.msk $0xffff, v1  }
0x1f: {  	v2 =	vld [tilespmem:s12+$0xFFFFFFD0];
	_ =	sdelay $0x7  }
0x20: {  	[tilespmem:v2+s7+$0x0] =	vst.idx.add.f32.msk $0xffff, v1  }
0x21: {  	v2 =	vld [tilespmem:s12+$0xFFFFFFE0];
	_ =	sdelay $0x7  }
0x22: {  	[tilespmem:v2+s7+$0x0] =	vst.idx.add.f32.msk $0xffff, v1  }
0x23: {  	v2 =	vld [tilespmem:s12+$0xFFFFFFF0];
	_ =	sdelay $0x7  }
0x24: {  	[tilespmem:v2+s7+$0x0] =	vst.idx.add.f32.msk $0xffff, v1  }
0x25: {  	v2 =	vld [tilespmem:s12+$0x0];
	_ =	sdelay $0x2  }
0x26: {  	p0 =	sne.s32 s11, $0x9FC0  }
.Ltmp1:
0x27: {  	_ = 	snop;
	(pc) =	sbr.rel @p0 .LBB2_4-.Ltmp1, $2  }
0x28: {  	_ =	sdelay $0x2  }
0x29: {  	s11 =	sadd.s32 $0x200, s11;
	[tilespmem:v2+s7+$0x0] =	vst.idx.add.f32.msk $0xffff, v1  }
0x2a: {  	s10 =	sadd.s32 $0x1, s10  }
0x2b: {  	p0 =	sne.s32 s10, s5  }
.Ltmp2:
0x2c: {  	_ = 	snop;
	(pc) =	sbr.rel @p0 .LBB2_1-.Ltmp2, $4  }
0x2d: {  	[hbm4b:s4+s8] =	stream.strided.scatter [tilespmem:s7], [sflag:$0x1], $0x2800, s9, s8, $0x38;
	[tilespmem:$0x5400] =	vst v63  }
0x2e: {  	_ =	swait.ge [sflag:s6], $0x2800  }
0x2f: {  	[sflag:s6] =	ssyncset.done $0x0  }
0x30: {  	[sflag:s6] =	ssyncadd.s32 $0xFFFFD800  }
0x31: {  	_ =	sfence.sel $0x180000  }
0x32: {  	[bflag:$0x0] =	sbarrier.arrive $0xFFFF  }
0x33: {  	p0 =	sne.s32 s0, $0x0;
	_ =	strace $0x90000047  }
0x34: {  	s0 =	sadd.s32 @!p0 $0x100000, s1;
	[bflag:$0x2] =	sbarrier.arrive $0xFFFF  }
0x35: {  	[sflag:s0] =	ssyncadd.tile.s32 @!p0 $0x1;
	_ =	shalt  }
.Lfunc_end2:
_tile_overlayer_lowered:
.L_overlay_start_2:
0x36: {  	(tag) =	ssettag $0x2  }
0x37: {  	s0 =	rddreg [dreg:$0x0];
	s2 =	stileid.u32  }
0x38: {  	s1 =	rddreg [dreg:$0x1];
	p0 =	sne.s32 s2, $0x0  }
0x39: {  	s3 =	rddreg [dreg:$0x2];
	[bflag:$0x3] =	sbarrier.arrive $0xFFFF;
	s2 =	simm.s32 @!p0 $0x1C01  }
0x3a: {  	[timem:s3], [sflag:s2] =	dma.local @!p0 [hbm:s0], s1  }
0x3b: {  	s0 =	simm.s32 @!p0 $0x1  }
0x3c: {  	_ =	swait.ge @!p0 [sflag:s0], s1  }
0x3d: {  	s1 =	ssub.s32 @!p0 $0x0, s1;
	[sflag:s0] =	ssyncset.done @!p0 $0x0  }
0x3e: {  	[sflag:s0] =	ssyncadd.s32 @!p0 s1  }
0x3f: {  	[bflag:$0x3] =	sbarrier.arrive $0xFFFF  }
0x40: {  	_ =	shalt  }

// kernel: kernel.13.cloned.1.call-start
scs
__scs_entry_jumppad:
0x0: {  	(pc) =	sbr.rel $0x88, $3  }
0x1: {  	(tag) =	ssettag $0x0;
	lr =	simm.s32 $0x1  }
0x2: {  	[smem:$0x3F95] =	sst lr;
	_ =	strace $0xD0000000  }
0x3: {  	_ = 	snop  }
0x4: {  	_ = 	snop  }
0x5: {  	_ = 	snop  }
0x6: {  	_ = 	snop  }
0x7: {  	_ = 	snop  }
__scs_overlays_trampoline_lowered:
0x8: {  	[smem:$0x3FA4] =	sst s0  }
0x9: {  	[smem:$0x3FA5] =	sst s1  }
0xa: {  	[smem:$0x3FA6] =	sst s2  }
0xb: {  	[smem:$0x3FA7] =	sst s3  }
0xc: {  	[smem:$0x3FA8] =	sst s4  }
0xd: {  	[smem:$0x3FA9] =	sst s5  }
0xe: {  	[smem:$0x3FAA] =	sst s6  }
0xf: {  	[smem:$0x3FAB] =	sst s7  }
0x10: {  	[smem:$0x3FAC] =	sst s8  }
0x11: {  	[smem:$0x3FAD] =	sst s9;
	s0 =	simm.s32 @!p0 $0x0  }
0x12: {  	s1 =	sld [smem:$0x3F93];
	s0 =	simm.s32 @p0 $0x1  }
0x13: {  	[smem:$0x3FAE] =	sst s0;
	s0 =	simm.s32 @!p1 $0x0  }
0x14: {  	s2 =	sld [smem:$0x3F92];
	s0 =	simm.s32 @p1 $0x1  }
0x15: {  	[smem:$0x3FAF] =	sst s0;
	s0 =	simm.s32 @!p2 $0x0  }
0x16: {  	s3 =	sld [smem:$0x3FDB];
	s0 =	simm.s32 @p2 $0x1  }
0x17: {  	s4 =	simm.s32 $0x1BF5;
	[smem:$0x3FB1] =	sst s0  }
0x18: {  	s0 =	sld [smem:$0x3F94];
	_ =	swait.ge [sflag:s4], $0x0  }
0x19: {  	s7 =	sld [smem:$0x3F95]  }
0x1a: {  	s8 =	sadd.s32 $0xFFFFE003, lr  }
0x1b: {  	s9 =	sadd.s32 $0xFFFFFEF7, lr;
	s5 =	simm.s32 $0xFFFFFFFF;
	p2 =	slt.u32 s8, $0xFFFFF086  }
0x1c: {  	p1 =	slt.u32 s9, $0xF7A;
	s5 =	simm.s32 @!p2 $0x0  }
0x1d: {  	s5 =	simm.s32 @p1 $0x1;
	p0 =	seq.s32 s7, s2  }
0x1e: {  	s7 =	smul.u32 @!p0 $0xF7A, s2;
	p2 =	seq.s32 @!p0 s5, $0x0  }
0x1f: {  	s9 =	smul.u32 $0xF7A, s1;
	s8 =	simm.s32 @!p0 $0x1BF5;
	p2 =	por !p2, p0  }
0x20: {  	[sflag:s8] =	ssyncset.s32 @!p0 $0xFFFFF086;
	s6 =	sadd.s32 @!p0 s3, s7;
	s7 =	simm.s32 @!p0 $0x108  }
0x21: {  	s3 =	sadd.s32 s3, s9;
	s6 =	sadd.s32 @!p0 $0x88, s6;
	s7 =	simm.s32 @p2 $0x1082  }
0x22: {  	[simem:s7], [sflag:s8] =	dma.local @!p0 [hbm:s6], $0xF7A  }
0x23: {  	s9 =	sor.u32 $0xD0000000, s2;
	s6 =	simm.s32 $0x108;
	_ =	swait.ge @!p0 [sflag:s8], $0x0  }
0x24: {  	s3 =	sadd.s32 $0x88, s3;
	s6 =	simm.s32 @!p1 $0x1082;
	[sflag:s4] =	ssyncset.s32 $0xFFFFF086  }
0x25: {  	[simem:s6], [sflag:s4] =	dma.local [hbm:s3], $0xF7A  }
0x26: {  	[smem:$0x3F95] =	sst s1;
	(tag) =	ssettag s2;
	_ =	strace s9  }
0x27: {  	s1 =	sld [smem:$0x3FA5]  }
0x28: {  	s2 =	sld [smem:$0x3FA6]  }
0x29: {  	s4 =	sld [smem:$0x3FA8]  }
0x2a: {  	p0 =	seq.s32 s5, $0x0;
	s5 =	sld [smem:$0x3FA9]  }
0x2b: {  	s6 =	sld [smem:$0x3FAA]  }
0x2c: {  	s7 =	sld [smem:$0x3FAB]  }
0x2d: {  	s3 =	simm.s32 $0x108;
	s8 =	sld [smem:$0x3FAC]  }
0x2e: {  	s3 =	simm.s32 @!p0 $0x1082;
	s9 =	sld [smem:$0x3FAD]  }
0x2f: {  	lr =	sadd.s32 s0, s3;
	s0 =	sld [smem:$0x3FA4]  }
0x30: {  	s3 =	sld [smem:$0x3FA7]  }
0x31: {  	[smem:$0x3FB0] =	sst s10  }
0x32: {  	s10 =	sld [smem:$0x3FAE];
	_ =	sdelay $0x3  }
0x33: {  	p0 =	seq.s32 s10, $0x1;
	s10 =	sld [smem:$0x3FB0];
	_ =	sdelay $0x3  }
0x34: {  	[smem:$0x3FB0] =	sst s10  }
0x35: {  	s10 =	sld [smem:$0x3FAF];
	_ =	sdelay $0x3  }
0x36: {  	p1 =	seq.s32 s10, $0x1;
	s10 =	sld [smem:$0x3FB0];
	_ =	sdelay $0x3  }
0x37: {  	[smem:$0x3FB0] =	sst s10  }
0x38: {  	s10 =	sld [smem:$0x3FB1]  }
0x39: {  	_ = 	snop;
	(pc) =	sbr.ind lr, $3  }
0x3a: {  	_ = 	snop  }
0x3b: {  	_ = 	snop  }
0x3c: {  	p2 =	seq.s32 s10, $0x1;
	s10 =	sld [smem:$0x3FB0]  }
0x3d: {  	_ =	shalt  }
0x3e: {  	_ =	shalt  }
0x3f: {  	_ =	shalt  }
0x40: {  	_ =	shalt  }
0x41: {  	_ =	shalt  }
0x42: {  	_ =	shalt  }
0x43: {  	_ =	shalt  }
0x44: {  	_ =	shalt  }
0x45: {  	_ =	shalt  }
0x46: {  	_ =	shalt  }
0x47: {  	_ =	shalt  }
0x48: {  	_ =	shalt  }
0x49: {  	_ =	shalt  }
0x4a: {  	_ =	shalt  }
0x4b: {  	_ =	shalt  }
0x4c: {  	_ =	shalt  }
0x4d: {  	_ =	shalt  }
0x4e: {  	_ =	shalt  }
0x4f: {  	_ =	shalt  }
0x50: {  	_ =	shalt  }
0x51: {  	_ =	shalt  }
0x52: {  	_ =	shalt  }
0x53: {  	_ =	shalt  }
0x54: {  	_ =	shalt  }
0x55: {  	_ =	shalt  }
0x56: {  	_ =	shalt  }
0x57: {  	_ =	shalt  }
0x58: {  	_ =	shalt  }
0x59: {  	_ =	shalt  }
0x5a: {  	_ =	shalt  }
0x5b: {  	_ =	shalt  }
0x5c: {  	_ =	shalt  }
0x5d: {  	_ =	shalt  }
0x5e: {  	_ =	shalt  }
0x5f: {  	_ =	shalt  }
0x60: {  	_ =	shalt  }
0x61: {  	_ =	shalt  }
0x62: {  	_ =	shalt  }
0x63: {  	_ =	shalt  }
0x64: {  	_ =	shalt  }
0x65: {  	_ =	shalt  }
0x66: {  	_ =	shalt  }
0x67: {  	_ =	shalt  }
0x68: {  	_ =	shalt  }
0x69: {  	_ =	shalt  }
0x6a: {  	_ =	shalt  }
0x6b: {  	_ =	shalt  }
0x6c: {  	_ =	shalt  }
0x6d: {  	_ =	shalt  }
0x6e: {  	_ =	shalt  }
0x6f: {  	_ =	shalt  }
0x70: {  	_ =	shalt  }
0x71: {  	_ =	shalt  }
0x72: {  	_ =	shalt  }
0x73: {  	_ =	shalt  }
0x74: {  	_ =	shalt  }
0x75: {  	_ =	shalt  }
0x76: {  	_ =	shalt  }
0x77: {  	_ =	shalt  }
0x78: {  	_ =	shalt  }
0x79: {  	_ =	shalt  }
0x7a: {  	_ =	shalt  }
0x7b: {  	_ =	shalt  }
0x7c: {  	_ =	shalt  }
0x7d: {  	_ =	shalt  }
0x7e: {  	_ =	shalt  }
0x7f: {  	_ =	shalt  }
0x80: {  	_ =	shalt  }
0x81: {  	_ =	shalt  }
0x82: {  	_ =	shalt  }
0x83: {  	_ =	shalt  }
0x84: {  	_ =	shalt  }
0x85: {  	_ =	shalt  }
0x86: {  	_ =	shalt  }
0x87: {  	_ =	shalt  }
.Lfunc_end0:
.L_simem_size_0:
called_computation.1_lowered:
.L_overlay_start_0:
0x88: {  	s2 =	sld [smem:$0x3FD9]  }
0x89: {  	s3 =	sld [smem:$0x3FFE];
	_ =	sdelay $0x1  }
0x8a: {  	s1 =	srdreg.scid  }
0x8b: {  	s0 =	sand.u32 $0x1, s1  }
0x8c: {  	s16 =	sshll.u32 s0, $0xA;
	s2 =	sadd.s32 s3, s2  }
0x8d: {  	s2 =	sadd.s32 s2, s16  }
0x8e: {  	[smem:$0x3FBC] =	sst s2  }
0x8f: {  	_ = 	snop  }
0x90: {  	(tm) =	ssettm $0x1  }
0x91: {  	s17 =	sld [smem:$0x3FFB];
	_ =	sdelay $0x3  }
0x92: {  	_ =	strace s17  }
0x93: {  	s2 =	sld [smem:$0x3FFC];
	_ =	sdelay $0x3  }
0x94: {  	_ =	strace s2  }
0x95: {  	s2 =	sld [smem:$0x3FFD];
	_ =	sdelay $0x3  }
0x96: {  	_ =	strace s2  }
0x97: {  	_ =	strace $0x8FFFFFFF  }
0x98: {  	s18 =	sld [smem:$0x3FDB];
	_ =	sdelay $0x1  }
0x99: {  	s19 =	simm.s32 $_scs_section_size  }
0x9a: {  	s4 =	simm.s32 $_size__tile_overlayer_lowered;
	s5 =	simm.s32 $_tile_overlayer_lowered  }
0x9b: {  	s22 =	simm.s32 $0x1BFF;
	s21 =	sshll.u32 s5, $0x1;
	s2 =	sadd.s32 s19, s18  }
0x9c: {  	s6 =	simm.s32 $0x0;
	s20 =	sshll.u32 s4, $0x1;
	s4 =	sadd.s32 s21, s2  }
0x9d: {  	[timem:s6], [sflag:s22] =	dma.local [hbm:s4], s20  }
0x9e: {  	_ =	swait.ge [sflag:s22], s20  }
0x9f: {  	s3 =	ssub.s32 $0x0, s20;
	[sflag:s22] =	ssyncset.done $0x0  }
0xa0: {  	[sflag:s22] =	ssyncadd.s32 s3;
	_ =	sdelay $0x1  }
0xa1: {  	s23 =	simm.s32 $0x1B8B  }
0xa2: {  	_ =	swait.ge [sflag:s23], $0x1  }
0xa3: {  	[sflag:s23] =	ssyncset.done $0x0  }
0xa4: {  	s25 =	simm.s32 $0x1B8E;
	s24 =	sld [smem:$0x3FFE];
	[sflag:s23] =	ssyncadd.s32 $0xFFFFFFFF  }
0xa5: {  	s26 =	simm.s32 $execute0_lowered;
	[smem:$0x3FD2] =	sst s25  }
0xa6: {  	s4 =	sshll.u32 s26, $0x1;
	_ =	strace $0x80000049;
	[dreg:$0x1] =	wrdreg $0xFFFFFFFF  }
0xa7: {  	s28 =	simm.s32 $_size_execute0_lowered;
	s2 =	sadd.s32 s2, s4;
	[dreg:$0x0] =	wrdreg $0x0  }
0xa8: {  	s4 =	sshll.u32 s28, $0x1;
	[dreg:$0x2] =	wrdreg s2  }
0xa9: {  	[dreg:$0x3] =	wrdreg s4  }
0xaa: {  	[dreg:$0x4] =	wrdreg $0xC0  }
0xab: {  	_ =	task [dreg:s6], $0x5FFFF  }
0xac: {  	[dreg:$0x1] =	wrdreg $0xFFFFFFFF  }
0xad: {  	[dreg:$0x0] =	wrdreg $0x60  }
0xae: {  	[dreg:$0x2] =	wrdreg s24  }
0xaf: {  	[dreg:$0x3] =	wrdreg $0x91000  }
0xb0: {  	[dreg:$0x4] =	wrdreg $0x131000  }
0xb1: {  	[dreg:$0x5] =	wrdreg $0x9  }
0xb2: {  	_ =	task.clear_ibuf [dreg:s6], $0x6FFFF;
	_ =	strace $0x90000049  }
0xb3: {  	s29 =	simm.s32 $0x9;
	_ =	strace $0x8000004B  }
0xb4: {  	_ =	swait.ge [sflag:s29], $0x1  }
0xb5: {  	[sflag:s29] =	ssyncadd.s32 $0xFFFFFFFF  }
0xb6: {  	_ =	strace $0x9000004B  }
0xb7: {  	_ =	sfence  }
0xb8: {  	s30 =	sld [smem:$0x0];
	_ =	sdelay $0x2  }
0xb9: {  	s31 =	sshll.u32 s1, $0xD;
	s1 =	sshrl.u32 s1, $0x2  }
0xba: {  	s3 =	sand.u32 $0x4000, s31;
	s1 =	sadd.s32 s1, s30  }
0xbb: {  	s0 =	sor.u32 s3, s0;
	s1 =	sshll.u32 s1, $0x11  }
0xbc: {  	s0 =	sor.u32 s1, s0  }
0xbd: {  	s0 =	sadd.s32 $0x8F2B, s0  }
0xbe: {  	[sflag:s0] =	ssyncadd.remote.s32 $0x1  }
0xbf: {  	_ =	sfence.sel $0xFFFF  }
0xc0: {  	[dreg:$0x0] =	wrdreg $0xFFFFFFFF;
	(pc) =	sbr.abs _section_cstart, $3  }
0xc1: {  	[dreg:$0x1] =	wrdreg $0xFFFFFFFF  }
0xc2: {  	_ =	task.clear_ibuf [dreg:s6], $0x2FFFF;
	_ =	strace $0x9FFFFFFF  }
0xc3: {  	(tm) =	ssettm $0x7FFFFFFF  }
tec
execute0_lowered:
.L_overlay_start_1:
0x0: {  	(tag) =	ssettag $0x1  }
0x1: {  	s6 =	rddreg [dreg:$0x0]  }
0x2: {  	s2 =	rddreg [dreg:$0x1]  }
0x3: {  	s0 =	srdreg.scid;
	s3 =	rddreg [dreg:$0x2];
	s4 =	simm.s32 $0x0  }
0x4: {  	s14 =	simm.s32 $0x3;
	s16 =	simm.s32 $0x1;
	s17 =	simm.s32 $0x2  }
0x5: {  	s18 =	simm.s32 $0x80;
	s19 =	simm.s32 $0x5100;
	s20 =	simm.s32 $0x7100  }
0x6: {  	s21 =	simm.s32 $0x0;
	s5 =	sand.u32 $0x1, s0;
	s0 =	stileid.u32  }
0x7: {  	[smem:$0x7FF] =	sst s4;
	s1 =	sshll.u32 s5, $0x4;
	s9 =	smul.u32 $0xA000, s0  }
0x8: {  	s8 =	smul.u32 $0xA0000, s5;
	s5 =	ssub.s32 $0x2, s5;
	s1 =	sor.u32 s0, s1  }
0x9: {  	s31 =	sshll.u32 s0, $0x6;
	s30 =	sshrl.u32 s5, $0x1;
	s7 =	smul.u32 $0x510, s1  }
0xa: {  	s1 =	rddreg [dreg:$0x3];
	_ =	strace $0x8000004A;
	s8 =	sadd.s32 s9, s8  }
0xb: {  	s10 =	sshrl.u32 s9, $0x3;
	s12 =	ssub.s32 s5, s30;
	s13 =	sadd.s32 s9, s2  }
0xc: {  	s15 =	sadd.s32 s9, s3;
	s8 =	sshrl.u32 s8, $0x3;
	s10 =	sadd.s32 s10, s6  }
0xd: {  	s13 =	sshrl.u32 s13, $0x3;
	s15 =	sshrl.u32 s15, $0x3;
	s7 =	sadd.s32 s7, s6  }
0xe: {  	s11 =	sadd.s32 s8, s6;
	s8 =	sor.u32 $0x1C03, s31;
	s9 =	sadd.s32 $0x2BA00, s10  }
0xf: {  	s5 =	sadd.s32 $0x21800, s7;
	s6 =	sadd.s32 $0x17600, s7;
	s7 =	sadd.s32 $0x2600, s10  }
0x10: {  	s10 =	sadd.s32 $0x3FA00, s11;
	s11 =	smax.u32 s12, $0x1;
	s12 =	simm.s32 $0x2880  }
.LBB2_1:
0x11: {  	[tilespmem:s4], [sflag:$0x1] =	stream.linear.gather [hbm4b:s5+s4], $0x2880, $0x38;
	[tilespmem:$0x1D100] =	vst v63  }
0x12: {  	_ = 	snop  }
0x13: {  	[tilespmem:s12], [sflag:$0x2] =	stream.linear.gather [hbm4b:s6+s4], $0x2880, $0x38;
	[tilespmem:$0x1D100] =	vst v63  }
0x14: {  	[spmem:s13], [sflag:s8] =	dma.local [hbm:s7], $0x1400  }
0x15: {  	_ =	swait.ge [sflag:s14], $0x1400  }
0x16: {  	[sflag:s14] =	ssyncset.done $0x0  }
0x17: {  	[sflag:s14] =	ssyncadd.s32 $0xFFFFEC00  }
0x18: {  	[spmem:s15], [sflag:s8] =	dma.local [hbm:s9], $0x1400  }
0x19: {  	_ =	swait.ge [sflag:s14], $0x1400  }
0x1a: {  	[sflag:s14] =	ssyncset.done $0x0  }
0x1b: {  	[sflag:s14] =	ssyncadd.s32 $0xFFFFEC00  }
0x1c: {  	_ =	swait.ge [sflag:s16], $0x2880  }
0x1d: {  	[sflag:s16] =	ssyncset.done $0x0  }
0x1e: {  	[sflag:s16] =	ssyncadd.s32 $0xFFFFD780  }
0x1f: {  	_ =	swait.ge [sflag:s17], $0x2880  }
0x20: {  	[sflag:s17] =	ssyncset.done $0x0  }
0x21: {  	[sflag:s17] =	ssyncadd.s32 $0xFFFFD780  }
0x22: {  	[bflag:$0x0] =	sbarrier.arrive $0xFFFF  }
0x23: {  	[tilespmem:s19], [sflag:$0x1] =	stream.indirect.gather [spmem:s2], $0x40, s4, s18, $0xb8;
	[tilespmem:$0x1D100] =	vst v63  }
0x24: {  	s22 =	simm.s32 $0x80  }
0x25: {  	[tilespmem:s20], [sflag:$0x2] =	stream.indirect.gather [spmem:s2], $0x40, s22, s18, $0xb8;
	[tilespmem:$0x1D100] =	vst v63  }
0x26: {  	_ =	swait.ge [sflag:s16], $0x2000  }
0x27: {  	[sflag:s16] =	ssyncset.done $0x0  }
0x28: {  	s29 =	simm.s32 $0x2880;
	[sflag:s16] =	ssyncadd.s32 $0xFFFFE000  }
0x29: {  	[spmem:s3] =	stream.indirect.scatter.add.f32 [tilespmem:s19], [sflag:$0x3], $0x40, s29, s18, $0xb8;
	[tilespmem:$0x1D100] =	vst v63  }
0x2a: {  	_ =	swait.ge [sflag:s14], $0x2000  }
0x2b: {  	[sflag:s14] =	ssyncset.done $0x0  }
0x2c: {  	s30 =	simm.s32 $0x100;
	[sflag:s14] =	ssyncadd.s32 $0xFFFFE000  }
0x2d: {  	[tilespmem:s19], [sflag:$0x1] =	stream.indirect.gather [spmem:s2], $0x40, s30, s18, $0xb8;
	[tilespmem:$0x1D100] =	vst v63  }
0x2e: {  	_ =	swait.ge [sflag:s17], $0x2000  }
0x2f: {  	[sflag:s17] =	ssyncset.done $0x0  }
0x30: {  	s31 =	simm.s32 $0x2900;
	[sflag:s17] =	ssyncadd.s32 $0xFFFFE000  }
0x31: {  	[spmem:s3] =	stream.indirect.scatter.add.f32 [tilespmem:s20], [sflag:$0x3], $0x40, s31, s18, $0xb8;
	[tilespmem:$0x1D100] =	vst v63  }
0x32: {  	_ =	swait.ge [sflag:s14], $0x2000  }
0x33: {  	s23 =	simm.s32 $0x800;
	s22 =	simm.s32 $0x100;
	[sflag:s14] =	ssyncset.done $0x0  }
.LBB2_2:
0x34: {  	s24 =	sadd.s32 $0x80, s22  }
0x35: {  	[sflag:s14] =	ssyncadd.s32 $0xFFFFE000;
	s25 =	smov.u32 s23;
	s26 =	sadd.s32 $0x400, s23  }
0x36: {  	[tilespmem:s20], [sflag:$0x2] =	stream.indirect.gather [spmem:s2], $0x40, s24, s18, $0xb8;
	[tilespmem:$0x1D100] =	vst v63  }
0x37: {  	p0 =	sne.s32 s23, $0x9C00;
	_ =	swait.ge [sflag:s16], $0x2000  }
0x38: {  	[sflag:s16] =	ssyncset.done $0x0  }
0x39: {  	s23 =	sadd.s32 $0x2880, s22;
	[sflag:s16] =	ssyncadd.s32 $0xFFFFE000  }
0x3a: {  	[spmem:s3] =	stream.indirect.scatter.add.f32 [tilespmem:s19], [sflag:$0x3], $0x40, s23, s18, $0xb8;
	[tilespmem:$0x1D100] =	vst v63  }
0x3b: {  	_ =	swait.ge [sflag:s14], $0x2000  }
0x3c: {  	[sflag:s14] =	ssyncset.done $0x0  }
0x3d: {  	s23 =	sadd.s32 $0x100, s22;
	[sflag:s14] =	ssyncadd.s32 $0xFFFFE000  }
0x3e: {  	[tilespmem:s19], [sflag:$0x1] =	stream.indirect.gather [spmem:s2], $0x40, s23, s18, $0xb8;
	[tilespmem:$0x1D100] =	vst v63  }
0x3f: {  	_ =	swait.ge [sflag:s17], $0x2000  }
.Ltmp0:
0x40: {  	[sflag:s17] =	ssyncset.done $0x0;
	(pc) =	sbr.rel @p0 .LBB2_2-.Ltmp0, $4  }
0x41: {  	s22 =	sadd.s32 $0x2900, s22;
	[sflag:s17] =	ssyncadd.s32 $0xFFFFE000  }
0x42: {  	[spmem:s3] =	stream.indirect.scatter.add.f32 [tilespmem:s20], [sflag:$0x3], $0x40, s22, s18, $0xb8;
	[tilespmem:$0x1D100] =	vst v63  }
0x43: {  	_ =	swait.ge [sflag:s14], $0x2000  }
0x44: {  	s23 =	smov.u32 s26;
	s22 =	sshra.s32 s25, $0x2;
	[sflag:s14] =	ssyncset.done $0x0  }
0x45: {  	s23 =	sadd.s32 $0x80, s22;
	[sflag:s14] =	ssyncadd.s32 $0xFFFFE000  }
0x46: {  	[tilespmem:s20], [sflag:$0x2] =	stream.indirect.gather [spmem:s2], $0x40, s23, s18, $0xb8;
	[tilespmem:$0x1D100] =	vst v63  }
0x47: {  	_ =	swait.ge [sflag:s16], $0x2000  }
0x48: {  	[sflag:s16] =	ssyncset.done $0x0  }
0x49: {  	s29 =	sadd.s32 $0x2880, s22;
	[sflag:s16] =	ssyncadd.s32 $0xFFFFE000  }
0x4a: {  	[spmem:s3] =	stream.indirect.scatter.add.f32 [tilespmem:s19], [sflag:$0x3], $0x40, s29, s18, $0xb8;
	[tilespmem:$0x1D100] =	vst v63  }
0x4b: {  	_ =	swait.ge [sflag:s14], $0x2000  }
0x4c: {  	[sflag:s14] =	ssyncset.done $0x0  }
0x4d: {  	s30 =	sadd.s32 $0x100, s22;
	[sflag:s14] =	ssyncadd.s32 $0xFFFFE000  }
0x4e: {  	[tilespmem:s19], [sflag:$0x1] =	stream.indirect.gather [spmem:s2], $0x40, s30, s18, $0xb8;
	[tilespmem:$0x1D100] =	vst v63  }
0x4f: {  	_ =	swait.ge [sflag:s17], $0x2000  }
0x50: {  	[sflag:s17] =	ssyncset.done $0x0  }
0x51: {  	s31 =	sadd.s32 $0x2900, s22;
	[sflag:s17] =	ssyncadd.s32 $0xFFFFE000  }
0x52: {  	[spmem:s3] =	stream.indirect.scatter.add.f32 [tilespmem:s20], [sflag:$0x3], $0x40, s31, s18, $0xb8;
	[tilespmem:$0x1D100] =	vst v63  }
0x53: {  	_ =	swait.ge [sflag:s14], $0x2000  }
0x54: {  	[sflag:s14] =	ssyncset.done $0x0  }
0x55: {  	[sflag:s14] =	ssyncadd.s32 $0xFFFFE000  }
0x56: {  	_ =	swait.ge [sflag:s16], $0x2000  }
0x57: {  	s21 =	sadd.s32 $0x1, s21;
	[sflag:s16] =	ssyncset.done $0x0  }
0x58: {  	p0 =	sne.s32 s21, s11;
	[sflag:s16] =	ssyncadd.s32 $0xFFFFE000  }
.Ltmp1:
0x59: {  	[bflag:$0x0] =	sbarrier.arrive $0xFFFF;
	(pc) =	sbr.rel @p0 .LBB2_1-.Ltmp1, $4  }
0x5a: {  	[hbm:s10], [sflag:s8] =	dma.local [spmem:s15], $0x1400  }
0x5b: {  	_ =	swait.ge [sflag:s14], $0x1400  }
0x5c: {  	[sflag:s14] =	ssyncset.done $0x0  }
0x5d: {  	[sflag:s14] =	ssyncadd.s32 $0xFFFFEC00  }
0x5e: {  	_ =	sfence.sel $0x180000  }
0x5f: {  	[bflag:$0x0] =	sbarrier.arrive $0xFFFF  }
0x60: {  	p0 =	sne.s32 s0, $0x0;
	_ =	strace $0x9000004A  }
0x61: {  	s0 =	sadd.s32 @!p0 $0x100000, s1;
	[bflag:$0x2] =	sbarrier.arrive $0xFFFF  }
0x62: {  	[sflag:s0] =	ssyncadd.tile.s32 @!p0 $0x1;
	_ =	shalt  }
.Lfunc_end2:
_tile_overlayer_lowered:
.L_overlay_start_2:
0x63: {  	(tag) =	ssettag $0x2  }
0x64: {  	s0 =	rddreg [dreg:$0x0];
	s2 =	stileid.u32  }
0x65: {  	s1 =	rddreg [dreg:$0x1];
	p0 =	sne.s32 s2, $0x0  }
0x66: {  	s3 =	rddreg [dreg:$0x2];
	[bflag:$0x3] =	sbarrier.arrive $0xFFFF;
	s2 =	simm.s32 @!p0 $0x1C03  }
0x67: {  	[timem:s3], [sflag:s2] =	dma.local @!p0 [hbm:s0], s1  }
0x68: {  	s0 =	simm.s32 @!p0 $0x3  }
0x69: {  	_ =	swait.ge @!p0 [sflag:s0], s1  }
0x6a: {  	s1 =	ssub.s32 @!p0 $0x0, s1;
	[sflag:s0] =	ssyncset.done @!p0 $0x0  }
0x6b: {  	[sflag:s0] =	ssyncadd.s32 @!p0 s1  }
0x6c: {  	[bflag:$0x3] =	sbarrier.arrive $0xFFFF  }
0x6d: {  	_ =	shalt  }

// kernel: kernel.16.cloned.1.call-start
scs
__scs_entry_jumppad:
0x0: {  	(pc) =	sbr.rel $0x88, $3  }
0x1: {  	(tag) =	ssettag $0x0;
	lr =	simm.s32 $0x1  }
0x2: {  	[smem:$0x3F95] =	sst lr;
	_ =	strace $0xD0000000  }
0x3: {  	_ = 	snop  }
0x4: {  	_ = 	snop  }
0x5: {  	_ = 	snop  }
0x6: {  	_ = 	snop  }
0x7: {  	_ = 	snop  }
__scs_overlays_trampoline_lowered:
0x8: {  	[smem:$0x3FA4] =	sst s0  }
0x9: {  	[smem:$0x3FA5] =	sst s1  }
0xa: {  	[smem:$0x3FA6] =	sst s2  }
0xb: {  	[smem:$0x3FA7] =	sst s3  }
0xc: {  	[smem:$0x3FA8] =	sst s4  }
0xd: {  	[smem:$0x3FA9] =	sst s5  }
0xe: {  	[smem:$0x3FAA] =	sst s6  }
0xf: {  	[smem:$0x3FAB] =	sst s7  }
0x10: {  	[smem:$0x3FAC] =	sst s8  }
0x11: {  	[smem:$0x3FAD] =	sst s9;
	s0 =	simm.s32 @!p0 $0x0  }
0x12: {  	s1 =	sld [smem:$0x3F93];
	s0 =	simm.s32 @p0 $0x1  }
0x13: {  	[smem:$0x3FAE] =	sst s0;
	s0 =	simm.s32 @!p1 $0x0  }
0x14: {  	s2 =	sld [smem:$0x3F92];
	s0 =	simm.s32 @p1 $0x1  }
0x15: {  	[smem:$0x3FAF] =	sst s0;
	s0 =	simm.s32 @!p2 $0x0  }
0x16: {  	s3 =	sld [smem:$0x3FDB];
	s0 =	simm.s32 @p2 $0x1  }
0x17: {  	s4 =	simm.s32 $0x1BF5;
	[smem:$0x3FB1] =	sst s0  }
0x18: {  	s0 =	sld [smem:$0x3F94];
	_ =	swait.ge [sflag:s4], $0x0  }
0x19: {  	s7 =	sld [smem:$0x3F95]  }
0x1a: {  	s8 =	sadd.s32 $0xFFFFE003, lr  }
0x1b: {  	s9 =	sadd.s32 $0xFFFFFEF7, lr;
	s5 =	simm.s32 $0xFFFFFFFF;
	p2 =	slt.u32 s8, $0xFFFFF086  }
0x1c: {  	p1 =	slt.u32 s9, $0xF7A;
	s5 =	simm.s32 @!p2 $0x0  }
0x1d: {  	s5 =	simm.s32 @p1 $0x1;
	p0 =	seq.s32 s7, s2  }
0x1e: {  	s7 =	smul.u32 @!p0 $0xF7A, s2;
	p2 =	seq.s32 @!p0 s5, $0x0  }
0x1f: {  	s9 =	smul.u32 $0xF7A, s1;
	s8 =	simm.s32 @!p0 $0x1BF5;
	p2 =	por !p2, p0  }
0x20: {  	[sflag:s8] =	ssyncset.s32 @!p0 $0xFFFFF086;
	s6 =	sadd.s32 @!p0 s3, s7;
	s7 =	simm.s32 @!p0 $0x108  }
0x21: {  	s3 =	sadd.s32 s3, s9;
	s6 =	sadd.s32 @!p0 $0x88, s6;
	s7 =	simm.s32 @p2 $0x1082  }
0x22: {  	[simem:s7], [sflag:s8] =	dma.local @!p0 [hbm:s6], $0xF7A  }
0x23: {  	s9 =	sor.u32 $0xD0000000, s2;
	s6 =	simm.s32 $0x108;
	_ =	swait.ge @!p0 [sflag:s8], $0x0  }
0x24: {  	s3 =	sadd.s32 $0x88, s3;
	s6 =	simm.s32 @!p1 $0x1082;
	[sflag:s4] =	ssyncset.s32 $0xFFFFF086  }
0x25: {  	[simem:s6], [sflag:s4] =	dma.local [hbm:s3], $0xF7A  }
0x26: {  	[smem:$0x3F95] =	sst s1;
	(tag) =	ssettag s2;
	_ =	strace s9  }
0x27: {  	s1 =	sld [smem:$0x3FA5]  }
0x28: {  	s2 =	sld [smem:$0x3FA6]  }
0x29: {  	s4 =	sld [smem:$0x3FA8]  }
0x2a: {  	p0 =	seq.s32 s5, $0x0;
	s5 =	sld [smem:$0x3FA9]  }
0x2b: {  	s6 =	sld [smem:$0x3FAA]  }
0x2c: {  	s7 =	sld [smem:$0x3FAB]  }
0x2d: {  	s3 =	simm.s32 $0x108;
	s8 =	sld [smem:$0x3FAC]  }
0x2e: {  	s3 =	simm.s32 @!p0 $0x1082;
	s9 =	sld [smem:$0x3FAD]  }
0x2f: {  	lr =	sadd.s32 s0, s3;
	s0 =	sld [smem:$0x3FA4]  }
0x30: {  	s3 =	sld [smem:$0x3FA7]  }
0x31: {  	[smem:$0x3FB0] =	sst s10  }
0x32: {  	s10 =	sld [smem:$0x3FAE];
	_ =	sdelay $0x3  }
0x33: {  	p0 =	seq.s32 s10, $0x1;
	s10 =	sld [smem:$0x3FB0];
	_ =	sdelay $0x3  }
0x34: {  	[smem:$0x3FB0] =	sst s10  }
0x35: {  	s10 =	sld [smem:$0x3FAF];
	_ =	sdelay $0x3  }
0x36: {  	p1 =	seq.s32 s10, $0x1;
	s10 =	sld [smem:$0x3FB0];
	_ =	sdelay $0x3  }
0x37: {  	[smem:$0x3FB0] =	sst s10  }
0x38: {  	s10 =	sld [smem:$0x3FB1]  }
0x39: {  	_ = 	snop;
	(pc) =	sbr.ind lr, $3  }
0x3a: {  	_ = 	snop  }
0x3b: {  	_ = 	snop  }
0x3c: {  	p2 =	seq.s32 s10, $0x1;
	s10 =	sld [smem:$0x3FB0]  }
0x3d: {  	_ =	shalt  }
0x3e: {  	_ =	shalt  }
0x3f: {  	_ =	shalt  }
0x40: {  	_ =	shalt  }
0x41: {  	_ =	shalt  }
0x42: {  	_ =	shalt  }
0x43: {  	_ =	shalt  }
0x44: {  	_ =	shalt  }
0x45: {  	_ =	shalt  }
0x46: {  	_ =	shalt  }
0x47: {  	_ =	shalt  }
0x48: {  	_ =	shalt  }
0x49: {  	_ =	shalt  }
0x4a: {  	_ =	shalt  }
0x4b: {  	_ =	shalt  }
0x4c: {  	_ =	shalt  }
0x4d: {  	_ =	shalt  }
0x4e: {  	_ =	shalt  }
0x4f: {  	_ =	shalt  }
0x50: {  	_ =	shalt  }
0x51: {  	_ =	shalt  }
0x52: {  	_ =	shalt  }
0x53: {  	_ =	shalt  }
0x54: {  	_ =	shalt  }
0x55: {  	_ =	shalt  }
0x56: {  	_ =	shalt  }
0x57: {  	_ =	shalt  }
0x58: {  	_ =	shalt  }
0x59: {  	_ =	shalt  }
0x5a: {  	_ =	shalt  }
0x5b: {  	_ =	shalt  }
0x5c: {  	_ =	shalt  }
0x5d: {  	_ =	shalt  }
0x5e: {  	_ =	shalt  }
0x5f: {  	_ =	shalt  }
0x60: {  	_ =	shalt  }
0x61: {  	_ =	shalt  }
0x62: {  	_ =	shalt  }
0x63: {  	_ =	shalt  }
0x64: {  	_ =	shalt  }
0x65: {  	_ =	shalt  }
0x66: {  	_ =	shalt  }
0x67: {  	_ =	shalt  }
0x68: {  	_ =	shalt  }
0x69: {  	_ =	shalt  }
0x6a: {  	_ =	shalt  }
0x6b: {  	_ =	shalt  }
0x6c: {  	_ =	shalt  }
0x6d: {  	_ =	shalt  }
0x6e: {  	_ =	shalt  }
0x6f: {  	_ =	shalt  }
0x70: {  	_ =	shalt  }
0x71: {  	_ =	shalt  }
0x72: {  	_ =	shalt  }
0x73: {  	_ =	shalt  }
0x74: {  	_ =	shalt  }
0x75: {  	_ =	shalt  }
0x76: {  	_ =	shalt  }
0x77: {  	_ =	shalt  }
0x78: {  	_ =	shalt  }
0x79: {  	_ =	shalt  }
0x7a: {  	_ =	shalt  }
0x7b: {  	_ =	shalt  }
0x7c: {  	_ =	shalt  }
0x7d: {  	_ =	shalt  }
0x7e: {  	_ =	shalt  }
0x7f: {  	_ =	shalt  }
0x80: {  	_ =	shalt  }
0x81: {  	_ =	shalt  }
0x82: {  	_ =	shalt  }
0x83: {  	_ =	shalt  }
0x84: {  	_ =	shalt  }
0x85: {  	_ =	shalt  }
0x86: {  	_ =	shalt  }
0x87: {  	_ =	shalt  }
.Lfunc_end0:
.L_simem_size_0:
called_computation.2_lowered:
.L_overlay_start_0:
0x88: {  	s2 =	sld [smem:$0x3FD9]  }
0x89: {  	s3 =	sld [smem:$0x3FFE];
	_ =	sdelay $0x1  }
0x8a: {  	s1 =	srdreg.scid  }
0x8b: {  	s0 =	sand.u32 $0x1, s1  }
0x8c: {  	s16 =	sshll.u32 s0, $0xA;
	s2 =	sadd.s32 s3, s2  }
0x8d: {  	s2 =	sadd.s32 s2, s16  }
0x8e: {  	[smem:$0x3FBC] =	sst s2  }
0x8f: {  	_ = 	snop  }
0x90: {  	(tm) =	ssettm $0x1  }
0x91: {  	s17 =	sld [smem:$0x3FFB];
	_ =	sdelay $0x3  }
0x92: {  	_ =	strace s17  }
0x93: {  	s2 =	sld [smem:$0x3FFC];
	_ =	sdelay $0x3  }
0x94: {  	_ =	strace s2  }
0x95: {  	s2 =	sld [smem:$0x3FFD];
	_ =	sdelay $0x3  }
0x96: {  	_ =	strace s2  }
0x97: {  	_ =	strace $0x8FFFFFFF  }
0x98: {  	s18 =	sld [smem:$0x3FDB];
	_ =	sdelay $0x1  }
0x99: {  	s19 =	simm.s32 $_scs_section_size  }
0x9a: {  	s4 =	simm.s32 $_size__tile_overlayer_lowered;
	s5 =	simm.s32 $_tile_overlayer_lowered  }
0x9b: {  	s22 =	simm.s32 $0x1BFF;
	s21 =	sshll.u32 s5, $0x1;
	s2 =	sadd.s32 s19, s18  }
0x9c: {  	s6 =	simm.s32 $0x0;
	s20 =	sshll.u32 s4, $0x1;
	s4 =	sadd.s32 s21, s2  }
0x9d: {  	[timem:s6], [sflag:s22] =	dma.local [hbm:s4], s20  }
0x9e: {  	_ =	swait.ge [sflag:s22], s20  }
0x9f: {  	s3 =	ssub.s32 $0x0, s20;
	[sflag:s22] =	ssyncset.done $0x0  }
0xa0: {  	[sflag:s22] =	ssyncadd.s32 s3;
	_ =	sdelay $0x1  }
0xa1: {  	s23 =	simm.s32 $0x1B8B  }
0xa2: {  	_ =	swait.ge [sflag:s23], $0x1  }
0xa3: {  	[sflag:s23] =	ssyncset.done $0x0  }
0xa4: {  	s25 =	simm.s32 $0x1B8E;
	s24 =	sld [smem:$0x3FFE];
	[sflag:s23] =	ssyncadd.s32 $0xFFFFFFFF  }
0xa5: {  	s26 =	simm.s32 $execute0_lowered;
	[smem:$0x3FD2] =	sst s25  }
0xa6: {  	s4 =	sshll.u32 s26, $0x1;
	_ =	strace $0x8000004C;
	[dreg:$0x1] =	wrdreg $0xFFFFFFFF  }
0xa7: {  	s28 =	simm.s32 $_size_execute0_lowered;
	s2 =	sadd.s32 s2, s4;
	[dreg:$0x0] =	wrdreg $0x0  }
0xa8: {  	s4 =	sshll.u32 s28, $0x1;
	[dreg:$0x2] =	wrdreg s2  }
0xa9: {  	[dreg:$0x3] =	wrdreg s4  }
0xaa: {  	[dreg:$0x4] =	wrdreg $0xC0  }
0xab: {  	_ =	task [dreg:s6], $0x5FFFF  }
0xac: {  	[dreg:$0x1] =	wrdreg $0xFFFFFFFF  }
0xad: {  	[dreg:$0x0] =	wrdreg $0x60  }
0xae: {  	[dreg:$0x2] =	wrdreg s24  }
0xaf: {  	[dreg:$0x3] =	wrdreg $0x91000  }
0xb0: {  	[dreg:$0x4] =	wrdreg $0x131000  }
0xb1: {  	[dreg:$0x5] =	wrdreg $0x9  }
0xb2: {  	_ =	task.clear_ibuf [dreg:s6], $0x6FFFF;
	_ =	strace $0x9000004C  }
0xb3: {  	s29 =	simm.s32 $0x9;
	_ =	strace $0x8000004E  }
0xb4: {  	_ =	swait.ge [sflag:s29], $0x1  }
0xb5: {  	[sflag:s29] =	ssyncadd.s32 $0xFFFFFFFF  }
0xb6: {  	_ =	strace $0x9000004E  }
0xb7: {  	_ =	sfence  }
0xb8: {  	s30 =	sld [smem:$0x0];
	_ =	sdelay $0x2  }
0xb9: {  	s31 =	sshll.u32 s1, $0xD;
	s1 =	sshrl.u32 s1, $0x2  }
0xba: {  	s3 =	sand.u32 $0x4000, s31;
	s1 =	sadd.s32 s1, s30  }
0xbb: {  	s0 =	sor.u32 s3, s0;
	s1 =	sshll.u32 s1, $0x11  }
0xbc: {  	s0 =	sor.u32 s1, s0  }
0xbd: {  	s0 =	sadd.s32 $0x8F2B, s0  }
0xbe: {  	[sflag:s0] =	ssyncadd.remote.s32 $0x1  }
0xbf: {  	_ =	sfence.sel $0xFFFF  }
0xc0: {  	[dreg:$0x0] =	wrdreg $0xFFFFFFFF;
	(pc) =	sbr.abs _section_cstart, $3  }
0xc1: {  	[dreg:$0x1] =	wrdreg $0xFFFFFFFF  }
0xc2: {  	_ =	task.clear_ibuf [dreg:s6], $0x2FFFF;
	_ =	strace $0x9FFFFFFF  }
0xc3: {  	(tm) =	ssettm $0x7FFFFFFF  }
tec
execute0_lowered:
.L_overlay_start_1:
0x0: {  	(tag) =	ssettag $0x1  }
0x1: {  	s6 =	rddreg [dreg:$0x0]  }
0x2: {  	s2 =	rddreg [dreg:$0x1]  }
0x3: {  	s0 =	srdreg.scid;
	s3 =	rddreg [dreg:$0x2];
	s4 =	simm.s32 $0x0  }
0x4: {  	s14 =	simm.s32 $0x3;
	s16 =	simm.s32 $0x1;
	s17 =	simm.s32 $0x2  }
0x5: {  	s18 =	simm.s32 $0x80;
	s19 =	simm.s32 $0x5100;
	s20 =	simm.s32 $0x7100  }
0x6: {  	s21 =	simm.s32 $0x0;
	s5 =	sand.u32 $0x1, s0;
	s0 =	stileid.u32  }
0x7: {  	[smem:$0x7FF] =	sst s4;
	s1 =	sshll.u32 s5, $0x4;
	s9 =	smul.u32 $0xA000, s0  }
0x8: {  	s8 =	smul.u32 $0xA0000, s5;
	s5 =	ssub.s32 $0x2, s5;
	s1 =	sor.u32 s0, s1  }
0x9: {  	s31 =	sshll.u32 s0, $0x6;
	s30 =	sshrl.u32 s5, $0x1;
	s7 =	smul.u32 $0x510, s1  }
0xa: {  	s1 =	rddreg [dreg:$0x3];
	_ =	strace $0x8000004D;
	s8 =	sadd.s32 s9, s8  }
0xb: {  	s10 =	sshrl.u32 s9, $0x3;
	s12 =	ssub.s32 s5, s30;
	s13 =	sadd.s32 s9, s2  }
0xc: {  	s15 =	sadd.s32 s9, s3;
	s8 =	sshrl.u32 s8, $0x3;
	s10 =	sadd.s32 s10, s6  }
0xd: {  	s13 =	sshrl.u32 s13, $0x3;
	s15 =	sshrl.u32 s15, $0x3;
	s7 =	sadd.s32 s7, s6  }
0xe: {  	s11 =	sadd.s32 s8, s6;
	s8 =	sor.u32 $0x1C03, s31;
	s9 =	sadd.s32 $0x2BA00, s10  }
0xf: {  	s5 =	sadd.s32 $0x21800, s7;
	s6 =	sadd.s32 $0x17600, s7;
	s7 =	sadd.s32 $0x2600, s10  }
0x10: {  	s10 =	sadd.s32 $0x3FA00, s11;
	s11 =	smax.u32 s12, $0x1;
	s12 =	simm.s32 $0x2880  }
.LBB2_1:
0x11: {  	[tilespmem:s4], [sflag:$0x1] =	stream.linear.gather [hbm4b:s5+s4], $0x2880, $0x38;
	[tilespmem:$0x1D100] =	vst v63  }
0x12: {  	_ = 	snop  }
0x13: {  	[tilespmem:s12], [sflag:$0x2] =	stream.linear.gather [hbm4b:s6+s4], $0x2880, $0x38;
	[tilespmem:$0x1D100] =	vst v63  }
0x14: {  	[spmem:s13], [sflag:s8] =	dma.local [hbm:s7], $0x1400  }
0x15: {  	_ =	swait.ge [sflag:s14], $0x1400  }
0x16: {  	[sflag:s14] =	ssyncset.done $0x0  }
0x17: {  	[sflag:s14] =	ssyncadd.s32 $0xFFFFEC00  }
0x18: {  	[spmem:s15], [sflag:s8] =	dma.local [hbm:s9], $0x1400  }
0x19: {  	_ =	swait.ge [sflag:s14], $0x1400  }
0x1a: {  	[sflag:s14] =	ssyncset.done $0x0  }
0x1b: {  	[sflag:s14] =	ssyncadd.s32 $0xFFFFEC00  }
0x1c: {  	_ =	swait.ge [sflag:s16], $0x2880  }
0x1d: {  	[sflag:s16] =	ssyncset.done $0x0  }
0x1e: {  	[sflag:s16] =	ssyncadd.s32 $0xFFFFD780  }
0x1f: {  	_ =	swait.ge [sflag:s17], $0x2880  }
0x20: {  	[sflag:s17] =	ssyncset.done $0x0  }
0x21: {  	[sflag:s17] =	ssyncadd.s32 $0xFFFFD780  }
0x22: {  	[bflag:$0x0] =	sbarrier.arrive $0xFFFF  }
0x23: {  	[tilespmem:s19], [sflag:$0x1] =	stream.indirect.gather [spmem:s2], $0x40, s4, s18, $0xb8;
	[tilespmem:$0x1D100] =	vst v63  }
0x24: {  	s22 =	simm.s32 $0x80  }
0x25: {  	[tilespmem:s20], [sflag:$0x2] =	stream.indirect.gather [spmem:s2], $0x40, s22, s18, $0xb8;
	[tilespmem:$0x1D100] =	vst v63  }
0x26: {  	_ =	swait.ge [sflag:s16], $0x2000  }
0x27: {  	[sflag:s16] =	ssyncset.done $0x0  }
0x28: {  	s29 =	simm.s32 $0x2880;
	[sflag:s16] =	ssyncadd.s32 $0xFFFFE000  }
0x29: {  	[spmem:s3] =	stream.indirect.scatter.add.f32 [tilespmem:s19], [sflag:$0x3], $0x40, s29, s18, $0xb8;
	[tilespmem:$0x1D100] =	vst v63  }
0x2a: {  	_ =	swait.ge [sflag:s14], $0x2000  }
0x2b: {  	[sflag:s14] =	ssyncset.done $0x0  }
0x2c: {  	s30 =	simm.s32 $0x100;
	[sflag:s14] =	ssyncadd.s32 $0xFFFFE000  }
0x2d: {  	[tilespmem:s19], [sflag:$0x1] =	stream.indirect.gather [spmem:s2], $0x40, s30, s18, $0xb8;
	[tilespmem:$0x1D100] =	vst v63  }
0x2e: {  	_ =	swait.ge [sflag:s17], $0x2000  }
0x2f: {  	[sflag:s17] =	ssyncset.done $0x0  }
0x30: {  	s31 =	simm.s32 $0x2900;
	[sflag:s17] =	ssyncadd.s32 $0xFFFFE000  }
0x31: {  	[spmem:s3] =	stream.indirect.scatter.add.f32 [tilespmem:s20], [sflag:$0x3], $0x40, s31, s18, $0xb8;
	[tilespmem:$0x1D100] =	vst v63  }
0x32: {  	_ =	swait.ge [sflag:s14], $0x2000  }
0x33: {  	s23 =	simm.s32 $0x800;
	s22 =	simm.s32 $0x100;
	[sflag:s14] =	ssyncset.done $0x0  }
.LBB2_2:
0x34: {  	s24 =	sadd.s32 $0x80, s22  }
0x35: {  	[sflag:s14] =	ssyncadd.s32 $0xFFFFE000;
	s25 =	smov.u32 s23;
	s26 =	sadd.s32 $0x400, s23  }
0x36: {  	[tilespmem:s20], [sflag:$0x2] =	stream.indirect.gather [spmem:s2], $0x40, s24, s18, $0xb8;
	[tilespmem:$0x1D100] =	vst v63  }
0x37: {  	p0 =	sne.s32 s23, $0x9C00;
	_ =	swait.ge [sflag:s16], $0x2000  }
0x38: {  	[sflag:s16] =	ssyncset.done $0x0  }
0x39: {  	s23 =	sadd.s32 $0x2880, s22;
	[sflag:s16] =	ssyncadd.s32 $0xFFFFE000  }
0x3a: {  	[spmem:s3] =	stream.indirect.scatter.add.f32 [tilespmem:s19], [sflag:$0x3], $0x40, s23, s18, $0xb8;
	[tilespmem:$0x1D100] =	vst v63  }
0x3b: {  	_ =	swait.ge [sflag:s14], $0x2000  }
0x3c: {  	[sflag:s14] =	ssyncset.done $0x0  }
0x3d: {  	s23 =	sadd.s32 $0x100, s22;
	[sflag:s14] =	ssyncadd.s32 $0xFFFFE000  }
0x3e: {  	[tilespmem:s19], [sflag:$0x1] =	stream.indirect.gather [spmem:s2], $0x40, s23, s18, $0xb8;
	[tilespmem:$0x1D100] =	vst v63  }
0x3f: {  	_ =	swait.ge [sflag:s17], $0x2000  }
.Ltmp0:
0x40: {  	[sflag:s17] =	ssyncset.done $0x0;
	(pc) =	sbr.rel @p0 .LBB2_2-.Ltmp0, $4  }
0x41: {  	s22 =	sadd.s32 $0x2900, s22;
	[sflag:s17] =	ssyncadd.s32 $0xFFFFE000  }
0x42: {  	[spmem:s3] =	stream.indirect.scatter.add.f32 [tilespmem:s20], [sflag:$0x3], $0x40, s22, s18, $0xb8;
	[tilespmem:$0x1D100] =	vst v63  }
0x43: {  	_ =	swait.ge [sflag:s14], $0x2000  }
0x44: {  	s23 =	smov.u32 s26;
	s22 =	sshra.s32 s25, $0x2;
	[sflag:s14] =	ssyncset.done $0x0  }
0x45: {  	s23 =	sadd.s32 $0x80, s22;
	[sflag:s14] =	ssyncadd.s32 $0xFFFFE000  }
0x46: {  	[tilespmem:s20], [sflag:$0x2] =	stream.indirect.gather [spmem:s2], $0x40, s23, s18, $0xb8;
	[tilespmem:$0x1D100] =	vst v63  }
0x47: {  	_ =	swait.ge [sflag:s16], $0x2000  }
0x48: {  	[sflag:s16] =	ssyncset.done $0x0  }
0x49: {  	s29 =	sadd.s32 $0x2880, s22;
	[sflag:s16] =	ssyncadd.s32 $0xFFFFE000  }
0x4a: {  	[spmem:s3] =	stream.indirect.scatter.add.f32 [tilespmem:s19], [sflag:$0x3], $0x40, s29, s18, $0xb8;
	[tilespmem:$0x1D100] =	vst v63  }
0x4b: {  	_ =	swait.ge [sflag:s14], $0x2000  }
0x4c: {  	[sflag:s14] =	ssyncset.done $0x0  }
0x4d: {  	s30 =	sadd.s32 $0x100, s22;
	[sflag:s14] =	ssyncadd.s32 $0xFFFFE000  }
0x4e: {  	[tilespmem:s19], [sflag:$0x1] =	stream.indirect.gather [spmem:s2], $0x40, s30, s18, $0xb8;
	[tilespmem:$0x1D100] =	vst v63  }
0x4f: {  	_ =	swait.ge [sflag:s17], $0x2000  }
0x50: {  	[sflag:s17] =	ssyncset.done $0x0  }
0x51: {  	s31 =	sadd.s32 $0x2900, s22;
	[sflag:s17] =	ssyncadd.s32 $0xFFFFE000  }
0x52: {  	[spmem:s3] =	stream.indirect.scatter.add.f32 [tilespmem:s20], [sflag:$0x3], $0x40, s31, s18, $0xb8;
	[tilespmem:$0x1D100] =	vst v63  }
0x53: {  	_ =	swait.ge [sflag:s14], $0x2000  }
0x54: {  	[sflag:s14] =	ssyncset.done $0x0  }
0x55: {  	[sflag:s14] =	ssyncadd.s32 $0xFFFFE000  }
0x56: {  	_ =	swait.ge [sflag:s16], $0x2000  }
0x57: {  	s21 =	sadd.s32 $0x1, s21;
	[sflag:s16] =	ssyncset.done $0x0  }
0x58: {  	p0 =	sne.s32 s21, s11;
	[sflag:s16] =	ssyncadd.s32 $0xFFFFE000  }
.Ltmp1:
0x59: {  	[bflag:$0x0] =	sbarrier.arrive $0xFFFF;
	(pc) =	sbr.rel @p0 .LBB2_1-.Ltmp1, $4  }
0x5a: {  	[hbm:s10], [sflag:s8] =	dma.local [spmem:s15], $0x1400  }
0x5b: {  	_ =	swait.ge [sflag:s14], $0x1400  }
0x5c: {  	[sflag:s14] =	ssyncset.done $0x0  }
0x5d: {  	[sflag:s14] =	ssyncadd.s32 $0xFFFFEC00  }
0x5e: {  	_ =	sfence.sel $0x180000  }
0x5f: {  	[bflag:$0x0] =	sbarrier.arrive $0xFFFF  }
0x60: {  	p0 =	sne.s32 s0, $0x0;
	_ =	strace $0x9000004D  }
0x61: {  	s0 =	sadd.s32 @!p0 $0x100000, s1;
	[bflag:$0x2] =	sbarrier.arrive $0xFFFF  }
0x62: {  	[sflag:s0] =	ssyncadd.tile.s32 @!p0 $0x1;
	_ =	shalt  }
.Lfunc_end2:
_tile_overlayer_lowered:
.L_overlay_start_2:
0x63: {  	(tag) =	ssettag $0x2  }
0x64: {  	s0 =	rddreg [dreg:$0x0];
	s2 =	stileid.u32  }
0x65: {  	s1 =	rddreg [dreg:$0x1];
	p0 =	sne.s32 s2, $0x0  }
0x66: {  	s3 =	rddreg [dreg:$0x2];
	[bflag:$0x3] =	sbarrier.arrive $0xFFFF;
	s2 =	simm.s32 @!p0 $0x1C03  }
0x67: {  	[timem:s3], [sflag:s2] =	dma.local @!p0 [hbm:s0], s1  }
0x68: {  	s0 =	simm.s32 @!p0 $0x3  }
0x69: {  	_ =	swait.ge @!p0 [sflag:s0], s1  }
0x6a: {  	s1 =	ssub.s32 @!p0 $0x0, s1;
	[sflag:s0] =	ssyncset.done @!p0 $0x0  }
0x6b: {  	[sflag:s0] =	ssyncadd.s32 @!p0 s1  }
0x6c: {  	[bflag:$0x3] =	sbarrier.arrive $0xFFFF  }
0x6d: {  	_ =	shalt  }

// kernel: kernel.19.cloned.1.call-start
scs
__scs_entry_jumppad:
0x0: {  	(pc) =	sbr.rel $0x88, $3  }
0x1: {  	(tag) =	ssettag $0x0;
	lr =	simm.s32 $0x1  }
0x2: {  	[smem:$0x3F95] =	sst lr;
	_ =	strace $0xD0000000  }
0x3: {  	_ = 	snop  }
0x4: {  	_ = 	snop  }
0x5: {  	_ = 	snop  }
0x6: {  	_ = 	snop  }
0x7: {  	_ = 	snop  }
__scs_overlays_trampoline_lowered:
0x8: {  	[smem:$0x3FA4] =	sst s0  }
0x9: {  	[smem:$0x3FA5] =	sst s1  }
0xa: {  	[smem:$0x3FA6] =	sst s2  }
0xb: {  	[smem:$0x3FA7] =	sst s3  }
0xc: {  	[smem:$0x3FA8] =	sst s4  }
0xd: {  	[smem:$0x3FA9] =	sst s5  }
0xe: {  	[smem:$0x3FAA] =	sst s6  }
0xf: {  	[smem:$0x3FAB] =	sst s7  }
0x10: {  	[smem:$0x3FAC] =	sst s8  }
0x11: {  	[smem:$0x3FAD] =	sst s9;
	s0 =	simm.s32 @!p0 $0x0  }
0x12: {  	s1 =	sld [smem:$0x3F93];
	s0 =	simm.s32 @p0 $0x1  }
0x13: {  	[smem:$0x3FAE] =	sst s0;
	s0 =	simm.s32 @!p1 $0x0  }
0x14: {  	s2 =	sld [smem:$0x3F92];
	s0 =	simm.s32 @p1 $0x1  }
0x15: {  	[smem:$0x3FAF] =	sst s0;
	s0 =	simm.s32 @!p2 $0x0  }
0x16: {  	s3 =	sld [smem:$0x3FDB];
	s0 =	simm.s32 @p2 $0x1  }
0x17: {  	s4 =	simm.s32 $0x1BF5;
	[smem:$0x3FB1] =	sst s0  }
0x18: {  	s0 =	sld [smem:$0x3F94];
	_ =	swait.ge [sflag:s4], $0x0  }
0x19: {  	s7 =	sld [smem:$0x3F95]  }
0x1a: {  	s8 =	sadd.s32 $0xFFFFE003, lr  }
0x1b: {  	s9 =	sadd.s32 $0xFFFFFEF7, lr;
	s5 =	simm.s32 $0xFFFFFFFF;
	p2 =	slt.u32 s8, $0xFFFFF086  }
0x1c: {  	p1 =	slt.u32 s9, $0xF7A;
	s5 =	simm.s32 @!p2 $0x0  }
0x1d: {  	s5 =	simm.s32 @p1 $0x1;
	p0 =	seq.s32 s7, s2  }
0x1e: {  	s7 =	smul.u32 @!p0 $0xF7A, s2;
	p2 =	seq.s32 @!p0 s5, $0x0  }
0x1f: {  	s9 =	smul.u32 $0xF7A, s1;
	s8 =	simm.s32 @!p0 $0x1BF5;
	p2 =	por !p2, p0  }
0x20: {  	[sflag:s8] =	ssyncset.s32 @!p0 $0xFFFFF086;
	s6 =	sadd.s32 @!p0 s3, s7;
	s7 =	simm.s32 @!p0 $0x108  }
0x21: {  	s3 =	sadd.s32 s3, s9;
	s6 =	sadd.s32 @!p0 $0x88, s6;
	s7 =	simm.s32 @p2 $0x1082  }
0x22: {  	[simem:s7], [sflag:s8] =	dma.local @!p0 [hbm:s6], $0xF7A  }
0x23: {  	s9 =	sor.u32 $0xD0000000, s2;
	s6 =	simm.s32 $0x108;
	_ =	swait.ge @!p0 [sflag:s8], $0x0  }
0x24: {  	s3 =	sadd.s32 $0x88, s3;
	s6 =	simm.s32 @!p1 $0x1082;
	[sflag:s4] =	ssyncset.s32 $0xFFFFF086  }
0x25: {  	[simem:s6], [sflag:s4] =	dma.local [hbm:s3], $0xF7A  }
0x26: {  	[smem:$0x3F95] =	sst s1;
	(tag) =	ssettag s2;
	_ =	strace s9  }
0x27: {  	s1 =	sld [smem:$0x3FA5]  }
0x28: {  	s2 =	sld [smem:$0x3FA6]  }
0x29: {  	s4 =	sld [smem:$0x3FA8]  }
0x2a: {  	p0 =	seq.s32 s5, $0x0;
	s5 =	sld [smem:$0x3FA9]  }
0x2b: {  	s6 =	sld [smem:$0x3FAA]  }
0x2c: {  	s7 =	sld [smem:$0x3FAB]  }
0x2d: {  	s3 =	simm.s32 $0x108;
	s8 =	sld [smem:$0x3FAC]  }
0x2e: {  	s3 =	simm.s32 @!p0 $0x1082;
	s9 =	sld [smem:$0x3FAD]  }
0x2f: {  	lr =	sadd.s32 s0, s3;
	s0 =	sld [smem:$0x3FA4]  }
0x30: {  	s3 =	sld [smem:$0x3FA7]  }
0x31: {  	[smem:$0x3FB0] =	sst s10  }
0x32: {  	s10 =	sld [smem:$0x3FAE];
	_ =	sdelay $0x3  }
0x33: {  	p0 =	seq.s32 s10, $0x1;
	s10 =	sld [smem:$0x3FB0];
	_ =	sdelay $0x3  }
0x34: {  	[smem:$0x3FB0] =	sst s10  }
0x35: {  	s10 =	sld [smem:$0x3FAF];
	_ =	sdelay $0x3  }
0x36: {  	p1 =	seq.s32 s10, $0x1;
	s10 =	sld [smem:$0x3FB0];
	_ =	sdelay $0x3  }
0x37: {  	[smem:$0x3FB0] =	sst s10  }
0x38: {  	s10 =	sld [smem:$0x3FB1]  }
0x39: {  	_ = 	snop;
	(pc) =	sbr.ind lr, $3  }
0x3a: {  	_ = 	snop  }
0x3b: {  	_ = 	snop  }
0x3c: {  	p2 =	seq.s32 s10, $0x1;
	s10 =	sld [smem:$0x3FB0]  }
0x3d: {  	_ =	shalt  }
0x3e: {  	_ =	shalt  }
0x3f: {  	_ =	shalt  }
0x40: {  	_ =	shalt  }
0x41: {  	_ =	shalt  }
0x42: {  	_ =	shalt  }
0x43: {  	_ =	shalt  }
0x44: {  	_ =	shalt  }
0x45: {  	_ =	shalt  }
0x46: {  	_ =	shalt  }
0x47: {  	_ =	shalt  }
0x48: {  	_ =	shalt  }
0x49: {  	_ =	shalt  }
0x4a: {  	_ =	shalt  }
0x4b: {  	_ =	shalt  }
0x4c: {  	_ =	shalt  }
0x4d: {  	_ =	shalt  }
0x4e: {  	_ =	shalt  }
0x4f: {  	_ =	shalt  }
0x50: {  	_ =	shalt  }
0x51: {  	_ =	shalt  }
0x52: {  	_ =	shalt  }
0x53: {  	_ =	shalt  }
0x54: {  	_ =	shalt  }
0x55: {  	_ =	shalt  }
0x56: {  	_ =	shalt  }
0x57: {  	_ =	shalt  }
0x58: {  	_ =	shalt  }
0x59: {  	_ =	shalt  }
0x5a: {  	_ =	shalt  }
0x5b: {  	_ =	shalt  }
0x5c: {  	_ =	shalt  }
0x5d: {  	_ =	shalt  }
0x5e: {  	_ =	shalt  }
0x5f: {  	_ =	shalt  }
0x60: {  	_ =	shalt  }
0x61: {  	_ =	shalt  }
0x62: {  	_ =	shalt  }
0x63: {  	_ =	shalt  }
0x64: {  	_ =	shalt  }
0x65: {  	_ =	shalt  }
0x66: {  	_ =	shalt  }
0x67: {  	_ =	shalt  }
0x68: {  	_ =	shalt  }
0x69: {  	_ =	shalt  }
0x6a: {  	_ =	shalt  }
0x6b: {  	_ =	shalt  }
0x6c: {  	_ =	shalt  }
0x6d: {  	_ =	shalt  }
0x6e: {  	_ =	shalt  }
0x6f: {  	_ =	shalt  }
0x70: {  	_ =	shalt  }
0x71: {  	_ =	shalt  }
0x72: {  	_ =	shalt  }
0x73: {  	_ =	shalt  }
0x74: {  	_ =	shalt  }
0x75: {  	_ =	shalt  }
0x76: {  	_ =	shalt  }
0x77: {  	_ =	shalt  }
0x78: {  	_ =	shalt  }
0x79: {  	_ =	shalt  }
0x7a: {  	_ =	shalt  }
0x7b: {  	_ =	shalt  }
0x7c: {  	_ =	shalt  }
0x7d: {  	_ =	shalt  }
0x7e: {  	_ =	shalt  }
0x7f: {  	_ =	shalt  }
0x80: {  	_ =	shalt  }
0x81: {  	_ =	shalt  }
0x82: {  	_ =	shalt  }
0x83: {  	_ =	shalt  }
0x84: {  	_ =	shalt  }
0x85: {  	_ =	shalt  }
0x86: {  	_ =	shalt  }
0x87: {  	_ =	shalt  }
.Lfunc_end0:
.L_simem_size_0:
called_computation.3_lowered:
.L_overlay_start_0:
0x88: {  	s2 =	sld [smem:$0x3FD9]  }
0x89: {  	s3 =	sld [smem:$0x3FFE];
	_ =	sdelay $0x1  }
0x8a: {  	s1 =	srdreg.scid  }
0x8b: {  	s0 =	sand.u32 $0x1, s1  }
0x8c: {  	s16 =	sshll.u32 s0, $0xA;
	s2 =	sadd.s32 s3, s2  }
0x8d: {  	s2 =	sadd.s32 s2, s16  }
0x8e: {  	[smem:$0x3FBC] =	sst s2  }
0x8f: {  	_ = 	snop  }
0x90: {  	(tm) =	ssettm $0x1  }
0x91: {  	s17 =	sld [smem:$0x3FFB];
	_ =	sdelay $0x3  }
0x92: {  	_ =	strace s17  }
0x93: {  	s2 =	sld [smem:$0x3FFC];
	_ =	sdelay $0x3  }
0x94: {  	_ =	strace s2  }
0x95: {  	s2 =	sld [smem:$0x3FFD];
	_ =	sdelay $0x3  }
0x96: {  	_ =	strace s2  }
0x97: {  	_ =	strace $0x8FFFFFFF  }
0x98: {  	s18 =	sld [smem:$0x3FDB];
	_ =	sdelay $0x1  }
0x99: {  	s19 =	simm.s32 $_scs_section_size  }
0x9a: {  	s4 =	simm.s32 $_size__tile_overlayer_lowered;
	s5 =	simm.s32 $_tile_overlayer_lowered  }
0x9b: {  	s22 =	simm.s32 $0x1BFF;
	s21 =	sshll.u32 s5, $0x1;
	s2 =	sadd.s32 s19, s18  }
0x9c: {  	s6 =	simm.s32 $0x0;
	s20 =	sshll.u32 s4, $0x1;
	s4 =	sadd.s32 s21, s2  }
0x9d: {  	[timem:s6], [sflag:s22] =	dma.local [hbm:s4], s20  }
0x9e: {  	_ =	swait.ge [sflag:s22], s20  }
0x9f: {  	s3 =	ssub.s32 $0x0, s20;
	[sflag:s22] =	ssyncset.done $0x0  }
0xa0: {  	[sflag:s22] =	ssyncadd.s32 s3;
	_ =	sdelay $0x1  }
0xa1: {  	s23 =	simm.s32 $0x1B8B  }
0xa2: {  	_ =	swait.ge [sflag:s23], $0x1  }
0xa3: {  	[sflag:s23] =	ssyncset.done $0x0  }
0xa4: {  	s25 =	simm.s32 $0x1B8E;
	s24 =	sld [smem:$0x3FFE];
	[sflag:s23] =	ssyncadd.s32 $0xFFFFFFFF  }
0xa5: {  	s26 =	simm.s32 $execute0_lowered;
	[smem:$0x3FD2] =	sst s25  }
0xa6: {  	s4 =	sshll.u32 s26, $0x1;
	_ =	strace $0x8000004F;
	[dreg:$0x1] =	wrdreg $0xFFFFFFFF  }
0xa7: {  	s28 =	simm.s32 $_size_execute0_lowered;
	s2 =	sadd.s32 s2, s4;
	[dreg:$0x0] =	wrdreg $0x0  }
0xa8: {  	s4 =	sshll.u32 s28, $0x1;
	[dreg:$0x2] =	wrdreg s2  }
0xa9: {  	[dreg:$0x3] =	wrdreg s4  }
0xaa: {  	[dreg:$0x4] =	wrdreg $0xC0  }
0xab: {  	_ =	task [dreg:s6], $0x5FFFF  }
0xac: {  	[dreg:$0x1] =	wrdreg $0xFFFFFFFF  }
0xad: {  	[dreg:$0x0] =	wrdreg $0x60  }
0xae: {  	[dreg:$0x2] =	wrdreg s24  }
0xaf: {  	[dreg:$0x3] =	wrdreg $0x71000  }
0xb0: {  	[dreg:$0x4] =	wrdreg $0xC1000  }
0xb1: {  	[dreg:$0x5] =	wrdreg $0x9  }
0xb2: {  	_ =	task.clear_ibuf [dreg:s6], $0x6FFFF;
	_ =	strace $0x9000004F  }
0xb3: {  	s29 =	simm.s32 $0x9;
	_ =	strace $0x80000051  }
0xb4: {  	_ =	swait.ge [sflag:s29], $0x1  }
0xb5: {  	[sflag:s29] =	ssyncadd.s32 $0xFFFFFFFF  }
0xb6: {  	_ =	strace $0x90000051  }
0xb7: {  	_ =	sfence  }
0xb8: {  	s30 =	sld [smem:$0x0];
	_ =	sdelay $0x2  }
0xb9: {  	s31 =	sshll.u32 s1, $0xD;
	s1 =	sshrl.u32 s1, $0x2  }
0xba: {  	s3 =	sand.u32 $0x4000, s31;
	s1 =	sadd.s32 s1, s30  }
0xbb: {  	s0 =	sor.u32 s3, s0;
	s1 =	sshll.u32 s1, $0x11  }
0xbc: {  	s0 =	sor.u32 s1, s0  }
0xbd: {  	s0 =	sadd.s32 $0x8F2B, s0  }
0xbe: {  	[sflag:s0] =	ssyncadd.remote.s32 $0x1  }
0xbf: {  	_ =	sfence.sel $0xFFFF  }
0xc0: {  	[dreg:$0x0] =	wrdreg $0xFFFFFFFF;
	(pc) =	sbr.abs _section_cstart, $3  }
0xc1: {  	[dreg:$0x1] =	wrdreg $0xFFFFFFFF  }
0xc2: {  	_ =	task.clear_ibuf [dreg:s6], $0x2FFFF;
	_ =	strace $0x9FFFFFFF  }
0xc3: {  	(tm) =	ssettm $0x7FFFFFFF  }
tec
execute0_lowered:
.L_overlay_start_1:
0x0: {  	(tag) =	ssettag $0x1  }
0x1: {  	s6 =	rddreg [dreg:$0x0]  }
0x2: {  	s2 =	rddreg [dreg:$0x1]  }
0x3: {  	s0 =	srdreg.scid;
	s3 =	rddreg [dreg:$0x2];
	s4 =	simm.s32 $0x0  }
0x4: {  	s14 =	simm.s32 $0x3;
	s16 =	simm.s32 $0x1;
	s17 =	simm.s32 $0x2  }
0x5: {  	s18 =	simm.s32 $0x80;
	s19 =	simm.s32 $0x5100;
	s20 =	simm.s32 $0x6100  }
0x6: {  	s21 =	simm.s32 $0x0;
	s5 =	sand.u32 $0x1, s0;
	s0 =	stileid.u32  }
0x7: {  	[smem:$0x7FF] =	sst s4;
	s1 =	sshll.u32 s5, $0x4;
	s9 =	smul.u32 $0x5000, s0  }
0x8: {  	s8 =	smul.u32 $0x50000, s5;
	s5 =	ssub.s32 $0x2, s5;
	s1 =	sor.u32 s0, s1  }
0x9: {  	s31 =	sshll.u32 s0, $0x6;
	s30 =	sshrl.u32 s5, $0x1;
	s7 =	smul.u32 $0x510, s1  }
0xa: {  	s1 =	rddreg [dreg:$0x3];
	_ =	strace $0x80000050;
	s8 =	sadd.s32 s9, s8  }
0xb: {  	s10 =	sshrl.u32 s9, $0x3;
	s12 =	ssub.s32 s5, s30;
	s13 =	sadd.s32 s9, s2  }
0xc: {  	s15 =	sadd.s32 s9, s3;
	s8 =	sshrl.u32 s8, $0x3;
	s10 =	sadd.s32 s10, s6  }
0xd: {  	s13 =	sshrl.u32 s13, $0x3;
	s15 =	sshrl.u32 s15, $0x3;
	s7 =	sadd.s32 s7, s6  }
0xe: {  	s11 =	sadd.s32 s8, s6;
	s8 =	sor.u32 $0x1C03, s31;
	s9 =	sadd.s32 $0xC600, s10  }
0xf: {  	s5 =	sadd.s32 $0x21800, s7;
	s6 =	sadd.s32 $0x17600, s7;
	s7 =	sadd.s32 $0x2600, s10  }
0x10: {  	s10 =	sadd.s32 $0x2BA00, s11;
	s11 =	smax.u32 s12, $0x1;
	s12 =	simm.s32 $0x2880  }
.LBB2_1:
0x11: {  	[tilespmem:s4], [sflag:$0x1] =	stream.linear.gather [hbm4b:s5+s4], $0x2880, $0x38;
	[tilespmem:$0x11100] =	vst v63  }
0x12: {  	_ = 	snop  }
0x13: {  	[tilespmem:s12], [sflag:$0x2] =	stream.linear.gather [hbm4b:s6+s4], $0x2880, $0x38;
	[tilespmem:$0x11100] =	vst v63  }
0x14: {  	[spmem:s13], [sflag:s8] =	dma.local [hbm:s7], $0xA00  }
0x15: {  	_ =	swait.ge [sflag:s14], $0xA00  }
0x16: {  	[sflag:s14] =	ssyncset.done $0x0  }
0x17: {  	[sflag:s14] =	ssyncadd.s32 $0xFFFFF600  }
0x18: {  	[spmem:s15], [sflag:s8] =	dma.local [hbm:s9], $0xA00  }
0x19: {  	_ =	swait.ge [sflag:s14], $0xA00  }
0x1a: {  	[sflag:s14] =	ssyncset.done $0x0  }
0x1b: {  	[sflag:s14] =	ssyncadd.s32 $0xFFFFF600  }
0x1c: {  	_ =	swait.ge [sflag:s16], $0x2880  }
0x1d: {  	[sflag:s16] =	ssyncset.done $0x0  }
0x1e: {  	[sflag:s16] =	ssyncadd.s32 $0xFFFFD780  }
0x1f: {  	_ =	swait.ge [sflag:s17], $0x2880  }
0x20: {  	[sflag:s17] =	ssyncset.done $0x0  }
0x21: {  	[sflag:s17] =	ssyncadd.s32 $0xFFFFD780  }
0x22: {  	[bflag:$0x0] =	sbarrier.arrive $0xFFFF  }
0x23: {  	[tilespmem:s19], [sflag:$0x1] =	stream.indirect.gather [spmem:s2], $0x20, s4, s18, $0xb8;
	[tilespmem:$0x11100] =	vst v63  }
0x24: {  	s22 =	simm.s32 $0x80  }
0x25: {  	[tilespmem:s20], [sflag:$0x2] =	stream.indirect.gather [spmem:s2], $0x20, s22, s18, $0xb8;
	[tilespmem:$0x11100] =	vst v63  }
0x26: {  	_ =	swait.ge [sflag:s16], $0x1000  }
0x27: {  	[sflag:s16] =	ssyncset.done $0x0  }
0x28: {  	s29 =	simm.s32 $0x2880;
	[sflag:s16] =	ssyncadd.s32 $0xFFFFF000  }
0x29: {  	[spmem:s3] =	stream.indirect.scatter.add.f32 [tilespmem:s19], [sflag:$0x3], $0x20, s29, s18, $0xb8;
	[tilespmem:$0x11100] =	vst v63  }
0x2a: {  	_ =	swait.ge [sflag:s14], $0x1000  }
0x2b: {  	[sflag:s14] =	ssyncset.done $0x0  }
0x2c: {  	s30 =	simm.s32 $0x100;
	[sflag:s14] =	ssyncadd.s32 $0xFFFFF000  }
0x2d: {  	[tilespmem:s19], [sflag:$0x1] =	stream.indirect.gather [spmem:s2], $0x20, s30, s18, $0xb8;
	[tilespmem:$0x11100] =	vst v63  }
0x2e: {  	_ =	swait.ge [sflag:s17], $0x1000  }
0x2f: {  	[sflag:s17] =	ssyncset.done $0x0  }
0x30: {  	s31 =	simm.s32 $0x2900;
	[sflag:s17] =	ssyncadd.s32 $0xFFFFF000  }
0x31: {  	[spmem:s3] =	stream.indirect.scatter.add.f32 [tilespmem:s20], [sflag:$0x3], $0x20, s31, s18, $0xb8;
	[tilespmem:$0x11100] =	vst v63  }
0x32: {  	_ =	swait.ge [sflag:s14], $0x1000  }
0x33: {  	s23 =	simm.s32 $0x800;
	s22 =	simm.s32 $0x100;
	[sflag:s14] =	ssyncset.done $0x0  }
.LBB2_2:
0x34: {  	s24 =	sadd.s32 $0x80, s22  }
0x35: {  	[sflag:s14] =	ssyncadd.s32 $0xFFFFF000;
	s25 =	smov.u32 s23;
	s26 =	sadd.s32 $0x400, s23  }
0x36: {  	[tilespmem:s20], [sflag:$0x2] =	stream.indirect.gather [spmem:s2], $0x20, s24, s18, $0xb8;
	[tilespmem:$0x11100] =	vst v63  }
0x37: {  	p0 =	sne.s32 s23, $0x9C00;
	_ =	swait.ge [sflag:s16], $0x1000  }
0x38: {  	[sflag:s16] =	ssyncset.done $0x0  }
0x39: {  	s23 =	sadd.s32 $0x2880, s22;
	[sflag:s16] =	ssyncadd.s32 $0xFFFFF000  }
0x3a: {  	[spmem:s3] =	stream.indirect.scatter.add.f32 [tilespmem:s19], [sflag:$0x3], $0x20, s23, s18, $0xb8;
	[tilespmem:$0x11100] =	vst v63  }
0x3b: {  	_ =	swait.ge [sflag:s14], $0x1000  }
0x3c: {  	[sflag:s14] =	ssyncset.done $0x0  }
0x3d: {  	s23 =	sadd.s32 $0x100, s22;
	[sflag:s14] =	ssyncadd.s32 $0xFFFFF000  }
0x3e: {  	[tilespmem:s19], [sflag:$0x1] =	stream.indirect.gather [spmem:s2], $0x20, s23, s18, $0xb8;
	[tilespmem:$0x11100] =	vst v63  }
0x3f: {  	_ =	swait.ge [sflag:s17], $0x1000  }
.Ltmp0:
0x40: {  	[sflag:s17] =	ssyncset.done $0x0;
	(pc) =	sbr.rel @p0 .LBB2_2-.Ltmp0, $4  }
0x41: {  	s22 =	sadd.s32 $0x2900, s22;
	[sflag:s17] =	ssyncadd.s32 $0xFFFFF000  }
0x42: {  	[spmem:s3] =	stream.indirect.scatter.add.f32 [tilespmem:s20], [sflag:$0x3], $0x20, s22, s18, $0xb8;
	[tilespmem:$0x11100] =	vst v63  }
0x43: {  	_ =	swait.ge [sflag:s14], $0x1000  }
0x44: {  	s23 =	smov.u32 s26;
	s22 =	sshra.s32 s25, $0x2;
	[sflag:s14] =	ssyncset.done $0x0  }
0x45: {  	s23 =	sadd.s32 $0x80, s22;
	[sflag:s14] =	ssyncadd.s32 $0xFFFFF000  }
0x46: {  	[tilespmem:s20], [sflag:$0x2] =	stream.indirect.gather [spmem:s2], $0x20, s23, s18, $0xb8;
	[tilespmem:$0x11100] =	vst v63  }
0x47: {  	_ =	swait.ge [sflag:s16], $0x1000  }
0x48: {  	[sflag:s16] =	ssyncset.done $0x0  }
0x49: {  	s29 =	sadd.s32 $0x2880, s22;
	[sflag:s16] =	ssyncadd.s32 $0xFFFFF000  }
0x4a: {  	[spmem:s3] =	stream.indirect.scatter.add.f32 [tilespmem:s19], [sflag:$0x3], $0x20, s29, s18, $0xb8;
	[tilespmem:$0x11100] =	vst v63  }
0x4b: {  	_ =	swait.ge [sflag:s14], $0x1000  }
0x4c: {  	[sflag:s14] =	ssyncset.done $0x0  }
0x4d: {  	s30 =	sadd.s32 $0x100, s22;
	[sflag:s14] =	ssyncadd.s32 $0xFFFFF000  }
0x4e: {  	[tilespmem:s19], [sflag:$0x1] =	stream.indirect.gather [spmem:s2], $0x20, s30, s18, $0xb8;
	[tilespmem:$0x11100] =	vst v63  }
0x4f: {  	_ =	swait.ge [sflag:s17], $0x1000  }
0x50: {  	[sflag:s17] =	ssyncset.done $0x0  }
0x51: {  	s31 =	sadd.s32 $0x2900, s22;
	[sflag:s17] =	ssyncadd.s32 $0xFFFFF000  }
0x52: {  	[spmem:s3] =	stream.indirect.scatter.add.f32 [tilespmem:s20], [sflag:$0x3], $0x20, s31, s18, $0xb8;
	[tilespmem:$0x11100] =	vst v63  }
0x53: {  	_ =	swait.ge [sflag:s14], $0x1000  }
0x54: {  	[sflag:s14] =	ssyncset.done $0x0  }
0x55: {  	[sflag:s14] =	ssyncadd.s32 $0xFFFFF000  }
0x56: {  	_ =	swait.ge [sflag:s16], $0x1000  }
0x57: {  	s21 =	sadd.s32 $0x1, s21;
	[sflag:s16] =	ssyncset.done $0x0  }
0x58: {  	p0 =	sne.s32 s21, s11;
	[sflag:s16] =	ssyncadd.s32 $0xFFFFF000  }
.Ltmp1:
0x59: {  	[bflag:$0x0] =	sbarrier.arrive $0xFFFF;
	(pc) =	sbr.rel @p0 .LBB2_1-.Ltmp1, $4  }
0x5a: {  	[hbm:s10], [sflag:s8] =	dma.local [spmem:s15], $0xA00  }
0x5b: {  	_ =	swait.ge [sflag:s14], $0xA00  }
0x5c: {  	[sflag:s14] =	ssyncset.done $0x0  }
0x5d: {  	[sflag:s14] =	ssyncadd.s32 $0xFFFFF600  }
0x5e: {  	_ =	sfence.sel $0x180000  }
0x5f: {  	[bflag:$0x0] =	sbarrier.arrive $0xFFFF  }
0x60: {  	p0 =	sne.s32 s0, $0x0;
	_ =	strace $0x90000050  }
0x61: {  	s0 =	sadd.s32 @!p0 $0x100000, s1;
	[bflag:$0x2] =	sbarrier.arrive $0xFFFF  }
0x62: {  	[sflag:s0] =	ssyncadd.tile.s32 @!p0 $0x1;
	_ =	shalt  }
.Lfunc_end2:
_tile_overlayer_lowered:
.L_overlay_start_2:
0x63: {  	(tag) =	ssettag $0x2  }
0x64: {  	s0 =	rddreg [dreg:$0x0];
	s2 =	stileid.u32  }
0x65: {  	s1 =	rddreg [dreg:$0x1];
	p0 =	sne.s32 s2, $0x0  }
0x66: {  	s3 =	rddreg [dreg:$0x2];
	[bflag:$0x3] =	sbarrier.arrive $0xFFFF;
	s2 =	simm.s32 @!p0 $0x1C03  }
0x67: {  	[timem:s3], [sflag:s2] =	dma.local @!p0 [hbm:s0], s1  }
0x68: {  	s0 =	simm.s32 @!p0 $0x3  }
0x69: {  	_ =	swait.ge @!p0 [sflag:s0], s1  }
0x6a: {  	s1 =	ssub.s32 @!p0 $0x0, s1;
	[sflag:s0] =	ssyncset.done @!p0 $0x0  }
0x6b: {  	[sflag:s0] =	ssyncadd.s32 @!p0 s1  }
0x6c: {  	[bflag:$0x3] =	sbarrier.arrive $0xFFFF  }
0x6d: {  	_ =	shalt  }

</sc_bundles>
